<compile_context>
chip_gen: v7x
topology: tpu7x:2x2x1
jax: 0.10.2.dev20260603
libtpu: 0.0.44.dev20260713+nightly
codegen_flags: <defaults>
</compile_context>

<pallas_src>
import jax
import jax.numpy as jnp
from jax import lax
from jax.experimental import pallas as pl
from jax.experimental.pallas import tpu as pltpu
from jax.experimental.pallas import tpu_sc as plsc

BATCH = 4096
SEQ = 200
DIM = 64
VOCAB = 1000000
NC = 2
NS = 16
NW = NC * NS
NR = BATCH // NW
NBUF = 4
IB = 16
NBLK = NR // IB


def _emb_body(idx_hbm, tok_hbm, pos_hbm, out_hbm,
              idx_v, buf_v, pos_sh, sem_i, sem_n, sem_g, sem_o):
    sid = lax.axis_index("s")
    wid = sid * NC + lax.axis_index("c")
    b0 = wid * NR

    @pl.when(sid == 0)
    def _():
        pltpu.sync_copy(pos_hbm, pos_sh)
    plsc.subcore_barrier()

    def issue_idx(blk):
        pltpu.async_copy(
            idx_hbm.at[pl.ds(b0 + blk * IB, IB)],
            idx_v.at[blk % 2], sem_i.at[blk % 2])

    def wait_idx(blk):
        pltpu.make_async_copy(
            idx_hbm.at[pl.ds(b0 + blk * IB, IB)],
            idx_v.at[blk % 2], sem_i.at[blk % 2]).wait()

    def issue_init(r):
        k = r % NBUF
        pltpu.async_copy(pos_sh, buf_v.at[k], sem_n.at[k])

    def wait_init(r):
        k = r % NBUF
        pltpu.make_async_copy(pos_sh, buf_v.at[k], sem_n.at[k]).wait()

    def issue_add(r):
        k = r % NBUF
        pltpu.async_copy(
            tok_hbm.at[idx_v.at[(r // IB) % 2, r % IB]],
            buf_v.at[k], sem_g.at[k], add=True)

    def wait_add(r):
        k = r % NBUF
        pltpu.make_async_copy(
            tok_hbm.at[idx_v.at[(r // IB) % 2, r % IB]],
            buf_v.at[k], sem_g.at[k]).wait()

    def issue_out(r):
        k = r % NBUF
        pltpu.async_copy(buf_v.at[k], out_hbm.at[b0 + r], sem_o.at[k])

    def wait_out(r):
        k = r % NBUF
        pltpu.make_async_copy(
            buf_v.at[k], out_hbm.at[b0 + r], sem_o.at[k]).wait()

    issue_idx(0)
    issue_idx(1)
    issue_init(0)
    issue_init(1)
    wait_idx(0)
    wait_init(0)
    issue_add(0)

    @pl.loop(0, NR)
    def _row(r):
        wait_add(r)
        issue_out(r)

        @pl.when(r + 1 < NR)
        def _():
            x = r + 1

            @pl.when(x % IB == 0)
            def _():
                blk = x // IB
                wait_idx(blk)

                @pl.when(blk + 1 < NBLK)
                def _():
                    issue_idx(blk + 1)

            wait_init(x)
            issue_add(x)

        @pl.when(r + 2 < NR)
        def _():
            @pl.when(r >= 2)
            def _():
                wait_out(r - 2)
            issue_init(r + 2)

    for t in range(NBUF):
        wait_out(NR - NBUF + t)


@jax.jit
def _emb(inputs, token_table, pos_table):
    mesh = plsc.VectorSubcoreMesh(
        core_axis_name="c", subcore_axis_name="s", num_cores=NC, num_subcores=NS
    )
    return pl.kernel(
        _emb_body,
        out_type=jax.ShapeDtypeStruct((BATCH, SEQ, DIM), jnp.float32),
        mesh=mesh,
        scratch_types=[
            pltpu.VMEM((2, IB, SEQ), jnp.int32),
            pltpu.VMEM((NBUF, SEQ, DIM), jnp.float32),
            pltpu.VMEM_SHARED((SEQ, DIM), jnp.float32),
            pltpu.SemaphoreType.DMA((2,)),
            pltpu.SemaphoreType.DMA((NBUF,)),
            pltpu.SemaphoreType.DMA((NBUF,)),
            pltpu.SemaphoreType.DMA((NBUF,)),
        ],
        compiler_params=pltpu.CompilerParams(use_tc_tiling_on_sc=False),
    )(inputs, token_table, pos_table)


def kernel(inputs, token_table, pos_table):
    return _emb(inputs, token_table, pos_table)

# --- scband reference (transcript-rebuilt; emitter-appended) ---
"""Pipeline reference for scband-positional-embedding-45595372814502 (READ-ONLY COPY).

The authoritative reference and input builder live on the scoring server;
editing this copy changes nothing except your own understanding.
"""

import jax, jax.numpy as jnp
import numpy as np

VOCAB = 1000000
SEQ = 200
DIM = 64
BATCH = 4096


def setup_inputs(seed: int = 0) -> dict:
    key = jax.random.key(seed)
    k_idx, k_tok, k_pos = jax.random.split(key, 3)
    inputs = jax.random.randint(k_idx, (BATCH, SEQ), 0, VOCAB, dtype=jnp.int32)
    token_table = jax.random.normal(k_tok, (VOCAB, DIM), dtype=jnp.float32) * 0.02
    # padding_idx=0 -> row 0 is zero and non-trainable
    token_table = token_table.at[0].set(0.0)
    pos_table = jax.random.normal(k_pos, (SEQ, DIM), dtype=jnp.float32) * 0.02
    return {"inputs": inputs, "token_table": token_table, "pos_table": pos_table}


def reference(inputs, token_table, pos_table):
    length = inputs.shape[-1]
    positions = jnp.arange(length, dtype=jnp.int32)
    # mask reproduces padding_idx=0 semantics (row 0 contributes zero,
    # and in the bwd pass no gradient flows to row 0)
    mask = (inputs != 0).astype(token_table.dtype)[..., None]
    tok = jnp.take(token_table, inputs, axis=0) * mask
    pos = jnp.take(pos_table, positions, axis=0)[None, :, :]
    return tok + pos

if __name__ == "__main__":
    import jax
    _d = setup_inputs()
    print(jax.jit(kernel)(*tuple(_d.values())))

</pallas_src>

<mosaic_0001>
#map = affine_map<(d0, d1) -> (0, 0)>
#map1 = affine_map<(d0, d1) -> (0, 0, 0)>
module attributes {stable_mosaic.version = 14 : i64} {
  func.func @_emb_body(%arg0: i32, %arg1: i32, %arg2: memref<4096x200xi32, #tpu.memory_space<hbm>>, %arg3: memref<1000000x64xf32, #tpu.memory_space<hbm>>, %arg4: memref<200x64xf32, #tpu.memory_space<hbm>>, %arg5: memref<4096x200x64xf32, #tpu.memory_space<hbm>>, %arg6: memref<2x16x200xi32, #tpu.memory_space<vmem>>, %arg7: memref<4x200x64xf32, #tpu.memory_space<vmem>>, %arg8: memref<200x64xf32, #tpu.memory_space<vmem_shared>>, %arg9: memref<2x!tpu.dma_semaphore, #tpu.memory_space<semaphore_mem>>, %arg10: memref<4x!tpu.dma_semaphore, #tpu.memory_space<semaphore_mem>>, %arg11: memref<4x!tpu.dma_semaphore, #tpu.memory_space<semaphore_mem>>, %arg12: memref<4x!tpu.dma_semaphore, #tpu.memory_space<semaphore_mem>>) attributes {dimension_semantics = [#tpu.dimension_semantics<core_parallel>, #tpu.dimension_semantics<subcore_parallel>], iteration_bounds = array<i64: 2, 16>, scalar_prefetch = 0 : i64, scratch_operands = 7 : i64, tpu.core_type = #tpu.core_type<sc_vector_subcore>, window_params = [{transform_indices = #map}, {transform_indices = #map}, {transform_indices = #map}, {transform_indices = #map1}]} {
    %mul3A = arith.constant 2 : i32
    %mul3A_0 = arith.muli %arg1, %mul3A : i32
    %add3A = arith.addi %mul3A_0, %arg0 : i32
    %mul3A_1 = arith.constant 128 : i32
    %mul3A_2 = arith.muli %add3A, %mul3A_1 : i32
    %eq3A = arith.constant 0 : i32
    %eq3A_3 = arith.cmpi eq, %arg1, %eq3A : i32
    %convert_element_type3A = arith.extui %eq3A_3 : i1 to i32
    %cond3A = arith.constant 0 : i32
    %cond3A_4 = arith.cmpi ne, %convert_element_type3A, %cond3A : i32
    scf.if %cond3A_4 {
      "tpu.region"() ({
        %run_scoped3A = tpu.sem_alloc : memref<!tpu.dma_semaphore, #tpu.memory_space<semaphore_mem>>
        tpu.enqueue_dma source(%arg4 : memref<200x64xf32, #tpu.memory_space<hbm>>) target(%arg8 : memref<200x64xf32, #tpu.memory_space<vmem_shared>>) target_semaphore(%run_scoped3A : memref<!tpu.dma_semaphore, #tpu.memory_space<semaphore_mem>>)
        tpu.wait_dma2 semaphore(%run_scoped3A : memref<!tpu.dma_semaphore, #tpu.memory_space<semaphore_mem>>) src(%arg4 : memref<200x64xf32, #tpu.memory_space<hbm>>) dst(%arg8 : memref<200x64xf32, #tpu.memory_space<vmem_shared>>)
        tpu.yield
      }) : () -> ()
    } else {
    }
    %barrier3A = arith.constant 0 : index
    tpu.barrier barrier_id(%barrier3A)
    %add3A_5 = arith.constant 0 : i32
    %add3A_6 = arith.addi %mul3A_2, %add3A_5 : i32
    %dma_start3A = arith.constant 0 : i32
    %dma_start3A_7 = arith.constant 0 : i32
    %dma_start3A_8 = arith.constant 0 : i32
    %dma_start3A_9 = arith.constant 0 : i32
    %dma_start3A_10 = tpu.memref_slice %arg6[%dma_start3A, %dma_start3A_8, %dma_start3A_9] : memref<2x16x200xi32, #tpu.memory_space<vmem>> -> memref<1x16x200xi32, #tpu.memory_space<vmem>>
    %dma_start3A_11 = tpu.memref_squeeze %dma_start3A_10 : memref<1x16x200xi32, #tpu.memory_space<vmem>> -> memref<16x200xi32, #tpu.memory_space<vmem>>
    %dma_start3A_12 = arith.constant 0 : i32
    %dma_start3A_13 = tpu.memref_slice %arg2[%add3A_6, %dma_start3A_12] : memref<4096x200xi32, #tpu.memory_space<hbm>> -> memref<16x200xi32, #tpu.memory_space<hbm>>
    %dma_start3A_14 = tpu.memref_slice %arg9[%dma_start3A_7] : memref<2x!tpu.dma_semaphore, #tpu.memory_space<semaphore_mem>> -> memref<1x!tpu.dma_semaphore, #tpu.memory_space<semaphore_mem>>
    %dma_start3A_15 = tpu.memref_squeeze %dma_start3A_14 : memref<1x!tpu.dma_semaphore, #tpu.memory_space<semaphore_mem>> -> memref<!tpu.dma_semaphore, #tpu.memory_space<semaphore_mem>>
    %dma_start3A_16 = arith.constant 0 : i32
    %dma_start3A_17 = arith.constant 0 : i32
    %dma_start3A_18 = tpu.memref_slice %arg6[%dma_start3A, %dma_start3A_16, %dma_start3A_17] : memref<2x16x200xi32, #tpu.memory_space<vmem>> -> memref<1x16x200xi32, #tpu.memory_space<vmem>>
    %dma_start3A_19 = tpu.memref_squeeze %dma_start3A_18 : memref<1x16x200xi32, #tpu.memory_space<vmem>> -> memref<16x200xi32, #tpu.memory_space<vmem>>
    %dma_start3A_20 = arith.constant 0 : i32
    %dma_start3A_21 = tpu.memref_slice %arg2[%add3A_6, %dma_start3A_20] : memref<4096x200xi32, #tpu.memory_space<hbm>> -> memref<16x200xi32, #tpu.memory_space<hbm>>
    tpu.enqueue_dma source(%dma_start3A_21 : memref<16x200xi32, #tpu.memory_space<hbm>>) target(%dma_start3A_19 : memref<16x200xi32, #tpu.memory_space<vmem>>) target_semaphore(%dma_start3A_15 : memref<!tpu.dma_semaphore, #tpu.memory_space<semaphore_mem>>)
    %add3A_22 = arith.constant 16 : i32
    %add3A_23 = arith.addi %mul3A_2, %add3A_22 : i32
    %dma_start3A_24 = arith.constant 1 : i32
    %dma_start3A_25 = arith.constant 1 : i32
    %dma_start3A_26 = arith.constant 0 : i32
    %dma_start3A_27 = arith.constant 0 : i32
    %dma_start3A_28 = tpu.memref_slice %arg6[%dma_start3A_24, %dma_start3A_26, %dma_start3A_27] : memref<2x16x200xi32, #tpu.memory_space<vmem>> -> memref<1x16x200xi32, #tpu.memory_space<vmem>>
    %dma_start3A_29 = tpu.memref_squeeze %dma_start3A_28 : memref<1x16x200xi32, #tpu.memory_space<vmem>> -> memref<16x200xi32, #tpu.memory_space<vmem>>
    %dma_start3A_30 = arith.constant 0 : i32
    %dma_start3A_31 = tpu.memref_slice %arg2[%add3A_23, %dma_start3A_30] : memref<4096x200xi32, #tpu.memory_space<hbm>> -> memref<16x200xi32, #tpu.memory_space<hbm>>
    %dma_start3A_32 = tpu.memref_slice %arg9[%dma_start3A_25] : memref<2x!tpu.dma_semaphore, #tpu.memory_space<semaphore_mem>> -> memref<1x!tpu.dma_semaphore, #tpu.memory_space<semaphore_mem>>
    %dma_start3A_33 = tpu.memref_squeeze %dma_start3A_32 : memref<1x!tpu.dma_semaphore, #tpu.memory_space<semaphore_mem>> -> memref<!tpu.dma_semaphore, #tpu.memory_space<semaphore_mem>>
    %dma_start3A_34 = arith.constant 0 : i32
    %dma_start3A_35 = arith.constant 0 : i32
    %dma_start3A_36 = tpu.memref_slice %arg6[%dma_start3A_24, %dma_start3A_34, %dma_start3A_35] : memref<2x16x200xi32, #tpu.memory_space<vmem>> -> memref<1x16x200xi32, #tpu.memory_space<vmem>>
    %dma_start3A_37 = tpu.memref_squeeze %dma_start3A_36 : memref<1x16x200xi32, #tpu.memory_space<vmem>> -> memref<16x200xi32, #tpu.memory_space<vmem>>
    %dma_start3A_38 = arith.constant 0 : i32
    %dma_start3A_39 = tpu.memref_slice %arg2[%add3A_23, %dma_start3A_38] : memref<4096x200xi32, #tpu.memory_space<hbm>> -> memref<16x200xi32, #tpu.memory_space<hbm>>
    tpu.enqueue_dma source(%dma_start3A_39 : memref<16x200xi32, #tpu.memory_space<hbm>>) target(%dma_start3A_37 : memref<16x200xi32, #tpu.memory_space<vmem>>) target_semaphore(%dma_start3A_33 : memref<!tpu.dma_semaphore, #tpu.memory_space<semaphore_mem>>)
    %dma_start3A_40 = arith.constant 0 : i32
    %dma_start3A_41 = arith.constant 0 : i32
    %dma_start3A_42 = arith.constant 0 : i32
    %dma_start3A_43 = arith.constant 0 : i32
    %dma_start3A_44 = tpu.memref_slice %arg7[%dma_start3A_40, %dma_start3A_42, %dma_start3A_43] : memref<4x200x64xf32, #tpu.memory_space<vmem>> -> memref<1x200x64xf32, #tpu.memory_space<vmem>>
    %dma_start3A_45 = tpu.memref_squeeze %dma_start3A_44 : memref<1x200x64xf32, #tpu.memory_space<vmem>> -> memref<200x64xf32, #tpu.memory_space<vmem>>
    %dma_start3A_46 = tpu.memref_slice %arg10[%dma_start3A_41] : memref<4x!tpu.dma_semaphore, #tpu.memory_space<semaphore_mem>> -> memref<1x!tpu.dma_semaphore, #tpu.memory_space<semaphore_mem>>
    %dma_start3A_47 = tpu.memref_squeeze %dma_start3A_46 : memref<1x!tpu.dma_semaphore, #tpu.memory_space<semaphore_mem>> -> memref<!tpu.dma_semaphore, #tpu.memory_space<semaphore_mem>>
    %dma_start3A_48 = arith.constant 0 : i32
    %dma_start3A_49 = arith.constant 0 : i32
    %dma_start3A_50 = tpu.memref_slice %arg7[%dma_start3A_40, %dma_start3A_48, %dma_start3A_49] : memref<4x200x64xf32, #tpu.memory_space<vmem>> -> memref<1x200x64xf32, #tpu.memory_space<vmem>>
    %dma_start3A_51 = tpu.memref_squeeze %dma_start3A_50 : memref<1x200x64xf32, #tpu.memory_space<vmem>> -> memref<200x64xf32, #tpu.memory_space<vmem>>
    tpu.enqueue_dma source(%arg8 : memref<200x64xf32, #tpu.memory_space<vmem_shared>>) target(%dma_start3A_51 : memref<200x64xf32, #tpu.memory_space<vmem>>) target_semaphore(%dma_start3A_47 : memref<!tpu.dma_semaphore, #tpu.memory_space<semaphore_mem>>)
    %dma_start3A_52 = arith.constant 1 : i32
    %dma_start3A_53 = arith.constant 1 : i32
    %dma_start3A_54 = arith.constant 0 : i32
    %dma_start3A_55 = arith.constant 0 : i32
    %dma_start3A_56 = tpu.memref_slice %arg7[%dma_start3A_52, %dma_start3A_54, %dma_start3A_55] : memref<4x200x64xf32, #tpu.memory_space<vmem>> -> memref<1x200x64xf32, #tpu.memory_space<vmem>>
    %dma_start3A_57 = tpu.memref_squeeze %dma_start3A_56 : memref<1x200x64xf32, #tpu.memory_space<vmem>> -> memref<200x64xf32, #tpu.memory_space<vmem>>
    %dma_start3A_58 = tpu.memref_slice %arg10[%dma_start3A_53] : memref<4x!tpu.dma_semaphore, #tpu.memory_space<semaphore_mem>> -> memref<1x!tpu.dma_semaphore, #tpu.memory_space<semaphore_mem>>
    %dma_start3A_59 = tpu.memref_squeeze %dma_start3A_58 : memref<1x!tpu.dma_semaphore, #tpu.memory_space<semaphore_mem>> -> memref<!tpu.dma_semaphore, #tpu.memory_space<semaphore_mem>>
    %dma_start3A_60 = arith.constant 0 : i32
    %dma_start3A_61 = arith.constant 0 : i32
    %dma_start3A_62 = tpu.memref_slice %arg7[%dma_start3A_52, %dma_start3A_60, %dma_start3A_61] : memref<4x200x64xf32, #tpu.memory_space<vmem>> -> memref<1x200x64xf32, #tpu.memory_space<vmem>>
    %dma_start3A_63 = tpu.memref_squeeze %dma_start3A_62 : memref<1x200x64xf32, #tpu.memory_space<vmem>> -> memref<200x64xf32, #tpu.memory_space<vmem>>
    tpu.enqueue_dma source(%arg8 : memref<200x64xf32, #tpu.memory_space<vmem_shared>>) target(%dma_start3A_63 : memref<200x64xf32, #tpu.memory_space<vmem>>) target_semaphore(%dma_start3A_59 : memref<!tpu.dma_semaphore, #tpu.memory_space<semaphore_mem>>)
    %add3A_64 = arith.constant 0 : i32
    %add3A_65 = arith.addi %mul3A_2, %add3A_64 : i32
    %dma_wait3A = arith.constant 0 : i32
    %dma_wait3A_66 = arith.constant 0 : i32
    %dma_wait3A_67 = arith.constant 0 : i32
    %dma_wait3A_68 = arith.constant 0 : i32
    %dma_wait3A_69 = tpu.memref_slice %arg6[%dma_wait3A, %dma_wait3A_67, %dma_wait3A_68] : memref<2x16x200xi32, #tpu.memory_space<vmem>> -> memref<1x16x200xi32, #tpu.memory_space<vmem>>
    %dma_wait3A_70 = tpu.memref_squeeze %dma_wait3A_69 : memref<1x16x200xi32, #tpu.memory_space<vmem>> -> memref<16x200xi32, #tpu.memory_space<vmem>>
    %dma_wait3A_71 = arith.constant 0 : i32
    %dma_wait3A_72 = tpu.memref_slice %arg2[%add3A_65, %dma_wait3A_71] : memref<4096x200xi32, #tpu.memory_space<hbm>> -> memref<16x200xi32, #tpu.memory_space<hbm>>
    %dma_wait3A_73 = tpu.memref_slice %arg9[%dma_wait3A_66] : memref<2x!tpu.dma_semaphore, #tpu.memory_space<semaphore_mem>> -> memref<1x!tpu.dma_semaphore, #tpu.memory_space<semaphore_mem>>
    %dma_wait3A_74 = tpu.memref_squeeze %dma_wait3A_73 : memref<1x!tpu.dma_semaphore, #tpu.memory_space<semaphore_mem>> -> memref<!tpu.dma_semaphore, #tpu.memory_space<semaphore_mem>>
    %dma_wait3A_75 = arith.constant 0 : i32
    %dma_wait3A_76 = arith.constant 0 : i32
    %dma_wait3A_77 = tpu.memref_slice %arg6[%dma_wait3A, %dma_wait3A_75, %dma_wait3A_76] : memref<2x16x200xi32, #tpu.memory_space<vmem>> -> memref<1x16x200xi32, #tpu.memory_space<vmem>>
    %dma_wait3A_78 = tpu.memref_squeeze %dma_wait3A_77 : memref<1x16x200xi32, #tpu.memory_space<vmem>> -> memref<16x200xi32, #tpu.memory_space<vmem>>
    %dma_wait3A_79 = arith.constant 0 : i32
    %dma_wait3A_80 = tpu.memref_slice %arg2[%add3A_65, %dma_wait3A_79] : memref<4096x200xi32, #tpu.memory_space<hbm>> -> memref<16x200xi32, #tpu.memory_space<hbm>>
    tpu.wait_dma2 semaphore(%dma_wait3A_74 : memref<!tpu.dma_semaphore, #tpu.memory_space<semaphore_mem>>) src(%dma_wait3A_80 : memref<16x200xi32, #tpu.memory_space<hbm>>) dst(%dma_wait3A_78 : memref<16x200xi32, #tpu.memory_space<vmem>>)
    %dma_wait3A_81 = arith.constant 0 : i32
    %dma_wait3A_82 = arith.constant 0 : i32
    %dma_wait3A_83 = arith.constant 0 : i32
    %dma_wait3A_84 = arith.constant 0 : i32
    %dma_wait3A_85 = tpu.memref_slice %arg7[%dma_wait3A_81, %dma_wait3A_83, %dma_wait3A_84] : memref<4x200x64xf32, #tpu.memory_space<vmem>> -> memref<1x200x64xf32, #tpu.memory_space<vmem>>
    %dma_wait3A_86 = tpu.memref_squeeze %dma_wait3A_85 : memref<1x200x64xf32, #tpu.memory_space<vmem>> -> memref<200x64xf32, #tpu.memory_space<vmem>>
    %dma_wait3A_87 = tpu.memref_slice %arg10[%dma_wait3A_82] : memref<4x!tpu.dma_semaphore, #tpu.memory_space<semaphore_mem>> -> memref<1x!tpu.dma_semaphore, #tpu.memory_space<semaphore_mem>>
    %dma_wait3A_88 = tpu.memref_squeeze %dma_wait3A_87 : memref<1x!tpu.dma_semaphore, #tpu.memory_space<semaphore_mem>> -> memref<!tpu.dma_semaphore, #tpu.memory_space<semaphore_mem>>
    %dma_wait3A_89 = arith.constant 0 : i32
    %dma_wait3A_90 = arith.constant 0 : i32
    %dma_wait3A_91 = tpu.memref_slice %arg7[%dma_wait3A_81, %dma_wait3A_89, %dma_wait3A_90] : memref<4x200x64xf32, #tpu.memory_space<vmem>> -> memref<1x200x64xf32, #tpu.memory_space<vmem>>
    %dma_wait3A_92 = tpu.memref_squeeze %dma_wait3A_91 : memref<1x200x64xf32, #tpu.memory_space<vmem>> -> memref<200x64xf32, #tpu.memory_space<vmem>>
    tpu.wait_dma2 semaphore(%dma_wait3A_88 : memref<!tpu.dma_semaphore, #tpu.memory_space<semaphore_mem>>) src(%arg8 : memref<200x64xf32, #tpu.memory_space<vmem_shared>>) dst(%dma_wait3A_92 : memref<200x64xf32, #tpu.memory_space<vmem>>)
    %dma_start3A_93 = arith.constant 0 : i32
    %dma_start3A_94 = arith.constant 0 : i32
    %dma_start3A_95 = arith.constant 0 : i32
    %dma_start3A_96 = arith.constant 0 : i32
    %dma_start3A_97 = arith.constant 0 : i32
    %dma_start3A_98 = arith.constant 0 : i32
    %dma_start3A_99 = tpu.memref_slice %arg7[%dma_start3A_95, %dma_start3A_97, %dma_start3A_98] : memref<4x200x64xf32, #tpu.memory_space<vmem>> -> memref<1x200x64xf32, #tpu.memory_space<vmem>>
    %dma_start3A_100 = tpu.memref_squeeze %dma_start3A_99 : memref<1x200x64xf32, #tpu.memory_space<vmem>> -> memref<200x64xf32, #tpu.memory_space<vmem>>
    %dma_start3A_101 = arith.constant 0 : i32
    %dma_start3A_102 = tpu.memref_slice %arg6[%dma_start3A_93, %dma_start3A_94, %dma_start3A_101] : memref<2x16x200xi32, #tpu.memory_space<vmem>> -> memref<1x1x200xi32, #tpu.memory_space<vmem>>
    %dma_start3A_103 = tpu.memref_squeeze %dma_start3A_102 : memref<1x1x200xi32, #tpu.memory_space<vmem>> -> memref<200xi32, #tpu.memory_space<vmem>>
    %dma_start3A_104 = arith.constant 0 : i32
    %dma_start3A_105 = arith.constant 0 : i32
    %dma_start3A_106 = tpu.memref_slice %arg3[%dma_start3A_104, %dma_start3A_105] : memref<1000000x64xf32, #tpu.memory_space<hbm>> -> memref<1000000x64xf32, #tpu.memory_space<hbm>>
    %dma_start3A_107 = tpu.memref_slice %arg11[%dma_start3A_96] : memref<4x!tpu.dma_semaphore, #tpu.memory_space<semaphore_mem>> -> memref<1x!tpu.dma_semaphore, #tpu.memory_space<semaphore_mem>>
    %dma_start3A_108 = tpu.memref_squeeze %dma_start3A_107 : memref<1x!tpu.dma_semaphore, #tpu.memory_space<semaphore_mem>> -> memref<!tpu.dma_semaphore, #tpu.memory_space<semaphore_mem>>
    tpu.enqueue_indirect_dma source(%dma_start3A_106 : memref<1000000x64xf32, #tpu.memory_space<hbm>>) target(%dma_start3A_100 : memref<200x64xf32, #tpu.memory_space<vmem>>) offsets(%dma_start3A_103 : memref<200xi32, #tpu.memory_space<vmem>>) semaphore(%dma_start3A_108 : memref<!tpu.dma_semaphore, #tpu.memory_space<semaphore_mem>>) {add = true}
    %scan3A = arith.constant 0 : i32
    %scan3A_109 = arith.constant 128 : i32
    %scan3A_110 = arith.addi %scan3A, %scan3A_109 : i32
    %scan3A_111 = arith.constant 1 : i32
    scf.for %scan3A_201 = %scan3A to %scan3A_110 step %scan3A_111  : i32 {
      %mul3A_202 = arith.constant 1 : i32
      %mul3A_203 = arith.muli %scan3A_201, %mul3A_202 : i32
      %add3A_204 = arith.constant 0 : i32
      %add3A_205 = arith.addi %add3A_204, %mul3A_203 : i32
      %jit3A = arith.constant 4 : i32
      %eq3A_206 = arith.constant 0 : i32
      %eq3A_207 = arith.cmpi eq, %jit3A, %eq3A_206 : i32
      %jit3A_208 = arith.constant 1 : i32
      %select_n3A = arith.select %eq3A_207, %jit3A_208, %jit3A : i32
      %rem3A = arith.remsi %add3A_205, %select_n3A : i32
      %ne3A = arith.constant 0 : i32
      %ne3A_209 = arith.cmpi ne, %rem3A, %ne3A : i32
      %lt3A = arith.constant 0 : i32
      %lt3A_210 = arith.cmpi slt, %rem3A, %lt3A : i32
      %lt3A_211 = arith.constant 0 : i32
      %lt3A_212 = arith.cmpi slt, %select_n3A, %lt3A_211 : i32
      %ne3A_213 = arith.xori %lt3A_210, %lt3A_212 : i1
      %and3A = arith.andi %ne3A_213, %ne3A_209 : i1
      %add3A_214 = arith.addi %rem3A, %select_n3A : i32
      %select_n3A_215 = arith.select %and3A, %add3A_214, %rem3A : i32
      %jit3A_216 = arith.constant 16 : i32
      %div3A = arith.divsi %add3A_205, %jit3A_216 : i32
      %sign3A = arith.constant 0 : i32
      %sign3A_217 = arith.cmpi sgt, %add3A_205, %sign3A : i32
      %sign3A_218 = arith.extui %sign3A_217 : i1 to i32
      %sign3A_219 = arith.constant 0 : i32
      %sign3A_220 = arith.cmpi slt, %add3A_205, %sign3A_219 : i32
      %sign3A_221 = arith.extui %sign3A_220 : i1 to i32
      %sign3A_222 = arith.subi %sign3A_218, %sign3A_221 : i32
      %sign3A_223 = arith.constant 0 : i32
      %sign3A_224 = arith.cmpi sgt, %jit3A_216, %sign3A_223 : i32
      %sign3A_225 = arith.extui %sign3A_224 : i1 to i32
      %sign3A_226 = arith.constant 0 : i32
      %sign3A_227 = arith.cmpi slt, %jit3A_216, %sign3A_226 : i32
      %sign3A_228 = arith.extui %sign3A_227 : i1 to i32
      %sign3A_229 = arith.subi %sign3A_225, %sign3A_228 : i32
      %ne3A_230 = arith.cmpi ne, %sign3A_222, %sign3A_229 : i32
      %rem3A_231 = arith.remsi %add3A_205, %jit3A_216 : i32
      %ne3A_232 = arith.constant 0 : i32
      %ne3A_233 = arith.cmpi ne, %rem3A_231, %ne3A_232 : i32
      %and3A_234 = arith.andi %ne3A_230, %ne3A_233 : i1
      %sub3A = arith.constant 1 : i32
      %sub3A_235 = arith.subi %div3A, %sub3A : i32
      %select_n3A_236 = arith.select %and3A_234, %sub3A_235, %div3A : i32
      %jit3A_237 = arith.constant 2 : i32
      %eq3A_238 = arith.constant 0 : i32
      %eq3A_239 = arith.cmpi eq, %jit3A_237, %eq3A_238 : i32
      %jit3A_240 = arith.constant 1 : i32
      %select_n3A_241 = arith.select %eq3A_239, %jit3A_240, %jit3A_237 : i32
      %rem3A_242 = arith.remsi %select_n3A_236, %select_n3A_241 : i32
      %ne3A_243 = arith.constant 0 : i32
      %ne3A_244 = arith.cmpi ne, %rem3A_242, %ne3A_243 : i32
      %lt3A_245 = arith.constant 0 : i32
      %lt3A_246 = arith.cmpi slt, %rem3A_242, %lt3A_245 : i32
      %lt3A_247 = arith.constant 0 : i32
      %lt3A_248 = arith.cmpi slt, %select_n3A_241, %lt3A_247 : i32
      %ne3A_249 = arith.xori %lt3A_246, %lt3A_248 : i1
      %and3A_250 = arith.andi %ne3A_249, %ne3A_244 : i1
      %add3A_251 = arith.addi %rem3A_242, %select_n3A_241 : i32
      %select_n3A_252 = arith.select %and3A_250, %add3A_251, %rem3A_242 : i32
      %jit3A_253 = arith.constant 16 : i32
      %eq3A_254 = arith.constant 0 : i32
      %eq3A_255 = arith.cmpi eq, %jit3A_253, %eq3A_254 : i32
      %jit3A_256 = arith.constant 1 : i32
      %select_n3A_257 = arith.select %eq3A_255, %jit3A_256, %jit3A_253 : i32
      %rem3A_258 = arith.remsi %add3A_205, %select_n3A_257 : i32
      %ne3A_259 = arith.constant 0 : i32
      %ne3A_260 = arith.cmpi ne, %rem3A_258, %ne3A_259 : i32
      %lt3A_261 = arith.constant 0 : i32
      %lt3A_262 = arith.cmpi slt, %rem3A_258, %lt3A_261 : i32
      %lt3A_263 = arith.constant 0 : i32
      %lt3A_264 = arith.cmpi slt, %select_n3A_257, %lt3A_263 : i32
      %ne3A_265 = arith.xori %lt3A_262, %lt3A_264 : i1
      %and3A_266 = arith.andi %ne3A_265, %ne3A_260 : i1
      %add3A_267 = arith.addi %rem3A_258, %select_n3A_257 : i32
      %select_n3A_268 = arith.select %and3A_266, %add3A_267, %rem3A_258 : i32
      %dma_wait3A_269 = arith.constant 0 : i32
      %dma_wait3A_270 = arith.constant 0 : i32
      %dma_wait3A_271 = tpu.memref_slice %arg7[%select_n3A_215, %dma_wait3A_269, %dma_wait3A_270] : memref<4x200x64xf32, #tpu.memory_space<vmem>> -> memref<1x200x64xf32, #tpu.memory_space<vmem>>
      %dma_wait3A_272 = tpu.memref_squeeze %dma_wait3A_271 : memref<1x200x64xf32, #tpu.memory_space<vmem>> -> memref<200x64xf32, #tpu.memory_space<vmem>>
      %dma_wait3A_273 = arith.constant 0 : i32
      %dma_wait3A_274 = tpu.memref_slice %arg6[%select_n3A_252, %select_n3A_268, %dma_wait3A_273] : memref<2x16x200xi32, #tpu.memory_space<vmem>> -> memref<1x1x200xi32, #tpu.memory_space<vmem>>
      %dma_wait3A_275 = tpu.memref_squeeze %dma_wait3A_274 : memref<1x1x200xi32, #tpu.memory_space<vmem>> -> memref<200xi32, #tpu.memory_space<vmem>>
      %dma_wait3A_276 = arith.constant 0 : i32
      %dma_wait3A_277 = arith.constant 0 : i32
      %dma_wait3A_278 = tpu.memref_slice %arg3[%dma_wait3A_276, %dma_wait3A_277] : memref<1000000x64xf32, #tpu.memory_space<hbm>> -> memref<1000000x64xf32, #tpu.memory_space<hbm>>
      %dma_wait3A_279 = tpu.memref_slice %arg11[%select_n3A_215] : memref<4x!tpu.dma_semaphore, #tpu.memory_space<semaphore_mem>> -> memref<1x!tpu.dma_semaphore, #tpu.memory_space<semaphore_mem>>
      %dma_wait3A_280 = tpu.memref_squeeze %dma_wait3A_279 : memref<1x!tpu.dma_semaphore, #tpu.memory_space<semaphore_mem>> -> memref<!tpu.dma_semaphore, #tpu.memory_space<semaphore_mem>>
      tpu.wait_indirect_dma semaphore(%dma_wait3A_280 : memref<!tpu.dma_semaphore, #tpu.memory_space<semaphore_mem>>) src(%dma_wait3A_278 : memref<1000000x64xf32, #tpu.memory_space<hbm>>) dst(%dma_wait3A_272 : memref<200x64xf32, #tpu.memory_space<vmem>>)
      %jit3A_281 = arith.constant 4 : i32
      %eq3A_282 = arith.constant 0 : i32
      %eq3A_283 = arith.cmpi eq, %jit3A_281, %eq3A_282 : i32
      %jit3A_284 = arith.constant 1 : i32
      %select_n3A_285 = arith.select %eq3A_283, %jit3A_284, %jit3A_281 : i32
      %rem3A_286 = arith.remsi %add3A_205, %select_n3A_285 : i32
      %ne3A_287 = arith.constant 0 : i32
      %ne3A_288 = arith.cmpi ne, %rem3A_286, %ne3A_287 : i32
      %lt3A_289 = arith.constant 0 : i32
      %lt3A_290 = arith.cmpi slt, %rem3A_286, %lt3A_289 : i32
      %lt3A_291 = arith.constant 0 : i32
      %lt3A_292 = arith.cmpi slt, %select_n3A_285, %lt3A_291 : i32
      %ne3A_293 = arith.xori %lt3A_290, %lt3A_292 : i1
      %and3A_294 = arith.andi %ne3A_293, %ne3A_288 : i1
      %add3A_295 = arith.addi %rem3A_286, %select_n3A_285 : i32
      %select_n3A_296 = arith.select %and3A_294, %add3A_295, %rem3A_286 : i32
      %add3A_297 = arith.addi %mul3A_2, %add3A_205 : i32
      %dma_start3A_298 = arith.constant 0 : i32
      %dma_start3A_299 = arith.constant 0 : i32
      %dma_start3A_300 = tpu.memref_slice %arg7[%select_n3A_296, %dma_start3A_298, %dma_start3A_299] : memref<4x200x64xf32, #tpu.memory_space<vmem>> -> memref<1x200x64xf32, #tpu.memory_space<vmem>>
      %dma_start3A_301 = tpu.memref_squeeze %dma_start3A_300 : memref<1x200x64xf32, #tpu.memory_space<vmem>> -> memref<200x64xf32, #tpu.memory_space<vmem>>
      %dma_start3A_302 = arith.constant 0 : i32
      %dma_start3A_303 = arith.constant 0 : i32
      %dma_start3A_304 = tpu.memref_slice %arg5[%add3A_297, %dma_start3A_302, %dma_start3A_303] : memref<4096x200x64xf32, #tpu.memory_space<hbm>> -> memref<1x200x64xf32, #tpu.memory_space<hbm>>
      %dma_start3A_305 = tpu.memref_squeeze %dma_start3A_304 : memref<1x200x64xf32, #tpu.memory_space<hbm>> -> memref<200x64xf32, #tpu.memory_space<hbm>>
      %dma_start3A_306 = tpu.memref_slice %arg12[%select_n3A_296] : memref<4x!tpu.dma_semaphore, #tpu.memory_space<semaphore_mem>> -> memref<1x!tpu.dma_semaphore, #tpu.memory_space<semaphore_mem>>
      %dma_start3A_307 = tpu.memref_squeeze %dma_start3A_306 : memref<1x!tpu.dma_semaphore, #tpu.memory_space<semaphore_mem>> -> memref<!tpu.dma_semaphore, #tpu.memory_space<semaphore_mem>>
      %dma_start3A_308 = arith.constant 0 : i32
      %dma_start3A_309 = arith.constant 0 : i32
      %dma_start3A_310 = tpu.memref_slice %arg5[%add3A_297, %dma_start3A_308, %dma_start3A_309] : memref<4096x200x64xf32, #tpu.memory_space<hbm>> -> memref<1x200x64xf32, #tpu.memory_space<hbm>>
      %dma_start3A_311 = tpu.memref_squeeze %dma_start3A_310 : memref<1x200x64xf32, #tpu.memory_space<hbm>> -> memref<200x64xf32, #tpu.memory_space<hbm>>
      %dma_start3A_312 = arith.constant 0 : i32
      %dma_start3A_313 = arith.constant 0 : i32
      %dma_start3A_314 = tpu.memref_slice %arg7[%select_n3A_296, %dma_start3A_312, %dma_start3A_313] : memref<4x200x64xf32, #tpu.memory_space<vmem>> -> memref<1x200x64xf32, #tpu.memory_space<vmem>>
      %dma_start3A_315 = tpu.memref_squeeze %dma_start3A_314 : memref<1x200x64xf32, #tpu.memory_space<vmem>> -> memref<200x64xf32, #tpu.memory_space<vmem>>
      tpu.enqueue_dma source(%dma_start3A_315 : memref<200x64xf32, #tpu.memory_space<vmem>>) target(%dma_start3A_311 : memref<200x64xf32, #tpu.memory_space<hbm>>) target_semaphore(%dma_start3A_307 : memref<!tpu.dma_semaphore, #tpu.memory_space<semaphore_mem>>)
      %add3A_316 = arith.constant 1 : i32
      %add3A_317 = arith.addi %add3A_205, %add3A_316 : i32
      %lt3A_318 = arith.constant 128 : i32
      %lt3A_319 = arith.cmpi slt, %add3A_317, %lt3A_318 : i32
      %convert_element_type3A_320 = arith.extui %lt3A_319 : i1 to i32
      %cond3A_321 = arith.constant 0 : i32
      %cond3A_322 = arith.cmpi ne, %convert_element_type3A_320, %cond3A_321 : i32
      scf.if %cond3A_322 {
        %add3A_330 = arith.constant 1 : i32
        %add3A_331 = arith.addi %add3A_205, %add3A_330 : i32
        %jit3A_332 = arith.constant 16 : i32
        %eq3A_333 = arith.constant 0 : i32
        %eq3A_334 = arith.cmpi eq, %jit3A_332, %eq3A_333 : i32
        %jit3A_335 = arith.constant 1 : i32
        %select_n3A_336 = arith.select %eq3A_334, %jit3A_335, %jit3A_332 : i32
        %rem3A_337 = arith.remsi %add3A_331, %select_n3A_336 : i32
        %ne3A_338 = arith.constant 0 : i32
        %ne3A_339 = arith.cmpi ne, %rem3A_337, %ne3A_338 : i32
        %lt3A_340 = arith.constant 0 : i32
        %lt3A_341 = arith.cmpi slt, %rem3A_337, %lt3A_340 : i32
        %lt3A_342 = arith.constant 0 : i32
        %lt3A_343 = arith.cmpi slt, %select_n3A_336, %lt3A_342 : i32
        %ne3A_344 = arith.xori %lt3A_341, %lt3A_343 : i1
        %and3A_345 = arith.andi %ne3A_344, %ne3A_339 : i1
        %add3A_346 = arith.addi %rem3A_337, %select_n3A_336 : i32
        %select_n3A_347 = arith.select %and3A_345, %add3A_346, %rem3A_337 : i32
        %eq3A_348 = arith.constant 0 : i32
        %eq3A_349 = arith.cmpi eq, %select_n3A_347, %eq3A_348 : i32
        %convert_element_type3A_350 = arith.extui %eq3A_349 : i1 to i32
        %cond3A_351 = arith.constant 0 : i32
        %cond3A_352 = arith.cmpi ne, %convert_element_type3A_350, %cond3A_351 : i32
        scf.if %cond3A_352 {
          %jit3A_463 = arith.constant 16 : i32
          %div3A_464 = arith.divsi %add3A_331, %jit3A_463 : i32
          %sign3A_465 = arith.constant 0 : i32
          %sign3A_466 = arith.cmpi sgt, %add3A_331, %sign3A_465 : i32
          %sign3A_467 = arith.extui %sign3A_466 : i1 to i32
          %sign3A_468 = arith.constant 0 : i32
          %sign3A_469 = arith.cmpi slt, %add3A_331, %sign3A_468 : i32
          %sign3A_470 = arith.extui %sign3A_469 : i1 to i32
          %sign3A_471 = arith.subi %sign3A_467, %sign3A_470 : i32
          %sign3A_472 = arith.constant 0 : i32
          %sign3A_473 = arith.cmpi sgt, %jit3A_463, %sign3A_472 : i32
          %sign3A_474 = arith.extui %sign3A_473 : i1 to i32
          %sign3A_475 = arith.constant 0 : i32
          %sign3A_476 = arith.cmpi slt, %jit3A_463, %sign3A_475 : i32
          %sign3A_477 = arith.extui %sign3A_476 : i1 to i32
          %sign3A_478 = arith.subi %sign3A_474, %sign3A_477 : i32
          %ne3A_479 = arith.cmpi ne, %sign3A_471, %sign3A_478 : i32
          %rem3A_480 = arith.remsi %add3A_331, %jit3A_463 : i32
          %ne3A_481 = arith.constant 0 : i32
          %ne3A_482 = arith.cmpi ne, %rem3A_480, %ne3A_481 : i32
          %and3A_483 = arith.andi %ne3A_479, %ne3A_482 : i1
          %sub3A_484 = arith.constant 1 : i32
          %sub3A_485 = arith.subi %div3A_464, %sub3A_484 : i32
          %select_n3A_486 = arith.select %and3A_483, %sub3A_485, %div3A_464 : i32
          %mul3A_487 = arith.constant 16 : i32
          %mul3A_488 = arith.muli %select_n3A_486, %mul3A_487 : i32
          %add3A_489 = arith.addi %mul3A_2, %mul3A_488 : i32
          %jit3A_490 = arith.constant 2 : i32
          %eq3A_491 = arith.constant 0 : i32
          %eq3A_492 = arith.cmpi eq, %jit3A_490, %eq3A_491 : i32
          %jit3A_493 = arith.constant 1 : i32
          %select_n3A_494 = arith.select %eq3A_492, %jit3A_493, %jit3A_490 : i32
          %rem3A_495 = arith.remsi %select_n3A_486, %select_n3A_494 : i32
          %ne3A_496 = arith.constant 0 : i32
          %ne3A_497 = arith.cmpi ne, %rem3A_495, %ne3A_496 : i32
          %lt3A_498 = arith.constant 0 : i32
          %lt3A_499 = arith.cmpi slt, %rem3A_495, %lt3A_498 : i32
          %lt3A_500 = arith.constant 0 : i32
          %lt3A_501 = arith.cmpi slt, %select_n3A_494, %lt3A_500 : i32
          %ne3A_502 = arith.xori %lt3A_499, %lt3A_501 : i1
          %and3A_503 = arith.andi %ne3A_502, %ne3A_497 : i1
          %add3A_504 = arith.addi %rem3A_495, %select_n3A_494 : i32
          %select_n3A_505 = arith.select %and3A_503, %add3A_504, %rem3A_495 : i32
          %jit3A_506 = arith.constant 2 : i32
          %eq3A_507 = arith.constant 0 : i32
          %eq3A_508 = arith.cmpi eq, %jit3A_506, %eq3A_507 : i32
          %jit3A_509 = arith.constant 1 : i32
          %select_n3A_510 = arith.select %eq3A_508, %jit3A_509, %jit3A_506 : i32
          %rem3A_511 = arith.remsi %select_n3A_486, %select_n3A_510 : i32
          %ne3A_512 = arith.constant 0 : i32
          %ne3A_513 = arith.cmpi ne, %rem3A_511, %ne3A_512 : i32
          %lt3A_514 = arith.constant 0 : i32
          %lt3A_515 = arith.cmpi slt, %rem3A_511, %lt3A_514 : i32
          %lt3A_516 = arith.constant 0 : i32
          %lt3A_517 = arith.cmpi slt, %select_n3A_510, %lt3A_516 : i32
          %ne3A_518 = arith.xori %lt3A_515, %lt3A_517 : i1
          %and3A_519 = arith.andi %ne3A_518, %ne3A_513 : i1
          %add3A_520 = arith.addi %rem3A_511, %select_n3A_510 : i32
          %select_n3A_521 = arith.select %and3A_519, %add3A_520, %rem3A_511 : i32
          %dma_wait3A_522 = arith.constant 0 : i32
          %dma_wait3A_523 = arith.constant 0 : i32
          %dma_wait3A_524 = tpu.memref_slice %arg6[%select_n3A_505, %dma_wait3A_522, %dma_wait3A_523] : memref<2x16x200xi32, #tpu.memory_space<vmem>> -> memref<1x16x200xi32, #tpu.memory_space<vmem>>
          %dma_wait3A_525 = tpu.memref_squeeze %dma_wait3A_524 : memref<1x16x200xi32, #tpu.memory_space<vmem>> -> memref<16x200xi32, #tpu.memory_space<vmem>>
          %dma_wait3A_526 = arith.constant 0 : i32
          %dma_wait3A_527 = tpu.memref_slice %arg2[%add3A_489, %dma_wait3A_526] : memref<4096x200xi32, #tpu.memory_space<hbm>> -> memref<16x200xi32, #tpu.memory_space<hbm>>
          %dma_wait3A_528 = tpu.memref_slice %arg9[%select_n3A_521] : memref<2x!tpu.dma_semaphore, #tpu.memory_space<semaphore_mem>> -> memref<1x!tpu.dma_semaphore, #tpu.memory_space<semaphore_mem>>
          %dma_wait3A_529 = tpu.memref_squeeze %dma_wait3A_528 : memref<1x!tpu.dma_semaphore, #tpu.memory_space<semaphore_mem>> -> memref<!tpu.dma_semaphore, #tpu.memory_space<semaphore_mem>>
          %dma_wait3A_530 = arith.constant 0 : i32
          %dma_wait3A_531 = arith.constant 0 : i32
          %dma_wait3A_532 = tpu.memref_slice %arg6[%select_n3A_505, %dma_wait3A_530, %dma_wait3A_531] : memref<2x16x200xi32, #tpu.memory_space<vmem>> -> memref<1x16x200xi32, #tpu.memory_space<vmem>>
          %dma_wait3A_533 = tpu.memref_squeeze %dma_wait3A_532 : memref<1x16x200xi32, #tpu.memory_space<vmem>> -> memref<16x200xi32, #tpu.memory_space<vmem>>
          %dma_wait3A_534 = arith.constant 0 : i32
          %dma_wait3A_535 = tpu.memref_slice %arg2[%add3A_489, %dma_wait3A_534] : memref<4096x200xi32, #tpu.memory_space<hbm>> -> memref<16x200xi32, #tpu.memory_space<hbm>>
          tpu.wait_dma2 semaphore(%dma_wait3A_529 : memref<!tpu.dma_semaphore, #tpu.memory_space<semaphore_mem>>) src(%dma_wait3A_535 : memref<16x200xi32, #tpu.memory_space<hbm>>) dst(%dma_wait3A_533 : memref<16x200xi32, #tpu.memory_space<vmem>>)
          %add3A_536 = arith.constant 1 : i32
          %add3A_537 = arith.addi %select_n3A_486, %add3A_536 : i32
          %lt3A_538 = arith.constant 8 : i32
          %lt3A_539 = arith.cmpi slt, %add3A_537, %lt3A_538 : i32
          %convert_element_type3A_540 = arith.extui %lt3A_539 : i1 to i32
          %cond3A_541 = arith.constant 0 : i32
          %cond3A_542 = arith.cmpi ne, %convert_element_type3A_540, %cond3A_541 : i32
          scf.if %cond3A_542 {
            %add3A_543 = arith.constant 1 : i32
            %add3A_544 = arith.addi %select_n3A_486, %add3A_543 : i32
            %mul3A_545 = arith.constant 16 : i32
            %mul3A_546 = arith.muli %add3A_544, %mul3A_545 : i32
            %add3A_547 = arith.addi %mul3A_2, %mul3A_546 : i32
            %jit3A_548 = arith.constant 2 : i32
            %eq3A_549 = arith.constant 0 : i32
            %eq3A_550 = arith.cmpi eq, %jit3A_548, %eq3A_549 : i32
            %jit3A_551 = arith.constant 1 : i32
            %select_n3A_552 = arith.select %eq3A_550, %jit3A_551, %jit3A_548 : i32
            %rem3A_553 = arith.remsi %add3A_544, %select_n3A_552 : i32
            %ne3A_554 = arith.constant 0 : i32
            %ne3A_555 = arith.cmpi ne, %rem3A_553, %ne3A_554 : i32
            %lt3A_556 = arith.constant 0 : i32
            %lt3A_557 = arith.cmpi slt, %rem3A_553, %lt3A_556 : i32
            %lt3A_558 = arith.constant 0 : i32
            %lt3A_559 = arith.cmpi slt, %select_n3A_552, %lt3A_558 : i32
            %ne3A_560 = arith.xori %lt3A_557, %lt3A_559 : i1
            %and3A_561 = arith.andi %ne3A_560, %ne3A_555 : i1
            %add3A_562 = arith.addi %rem3A_553, %select_n3A_552 : i32
            %select_n3A_563 = arith.select %and3A_561, %add3A_562, %rem3A_553 : i32
            %jit3A_564 = arith.constant 2 : i32
            %eq3A_565 = arith.constant 0 : i32
            %eq3A_566 = arith.cmpi eq, %jit3A_564, %eq3A_565 : i32
            %jit3A_567 = arith.constant 1 : i32
            %select_n3A_568 = arith.select %eq3A_566, %jit3A_567, %jit3A_564 : i32
            %rem3A_569 = arith.remsi %add3A_544, %select_n3A_568 : i32
            %ne3A_570 = arith.constant 0 : i32
            %ne3A_571 = arith.cmpi ne, %rem3A_569, %ne3A_570 : i32
            %lt3A_572 = arith.constant 0 : i32
            %lt3A_573 = arith.cmpi slt, %rem3A_569, %lt3A_572 : i32
            %lt3A_574 = arith.constant 0 : i32
            %lt3A_575 = arith.cmpi slt, %select_n3A_568, %lt3A_574 : i32
            %ne3A_576 = arith.xori %lt3A_573, %lt3A_575 : i1
            %and3A_577 = arith.andi %ne3A_576, %ne3A_571 : i1
            %add3A_578 = arith.addi %rem3A_569, %select_n3A_568 : i32
            %select_n3A_579 = arith.select %and3A_577, %add3A_578, %rem3A_569 : i32
            %dma_start3A_580 = arith.constant 0 : i32
            %dma_start3A_581 = arith.constant 0 : i32
            %dma_start3A_582 = tpu.memref_slice %arg6[%select_n3A_563, %dma_start3A_580, %dma_start3A_581] : memref<2x16x200xi32, #tpu.memory_space<vmem>> -> memref<1x16x200xi32, #tpu.memory_space<vmem>>
            %dma_start3A_583 = tpu.memref_squeeze %dma_start3A_582 : memref<1x16x200xi32, #tpu.memory_space<vmem>> -> memref<16x200xi32, #tpu.memory_space<vmem>>
            %dma_start3A_584 = arith.constant 0 : i32
            %dma_start3A_585 = tpu.memref_slice %arg2[%add3A_547, %dma_start3A_584] : memref<4096x200xi32, #tpu.memory_space<hbm>> -> memref<16x200xi32, #tpu.memory_space<hbm>>
            %dma_start3A_586 = tpu.memref_slice %arg9[%select_n3A_579] : memref<2x!tpu.dma_semaphore, #tpu.memory_space<semaphore_mem>> -> memref<1x!tpu.dma_semaphore, #tpu.memory_space<semaphore_mem>>
            %dma_start3A_587 = tpu.memref_squeeze %dma_start3A_586 : memref<1x!tpu.dma_semaphore, #tpu.memory_space<semaphore_mem>> -> memref<!tpu.dma_semaphore, #tpu.memory_space<semaphore_mem>>
            %dma_start3A_588 = arith.constant 0 : i32
            %dma_start3A_589 = arith.constant 0 : i32
            %dma_start3A_590 = tpu.memref_slice %arg6[%select_n3A_563, %dma_start3A_588, %dma_start3A_589] : memref<2x16x200xi32, #tpu.memory_space<vmem>> -> memref<1x16x200xi32, #tpu.memory_space<vmem>>
            %dma_start3A_591 = tpu.memref_squeeze %dma_start3A_590 : memref<1x16x200xi32, #tpu.memory_space<vmem>> -> memref<16x200xi32, #tpu.memory_space<vmem>>
            %dma_start3A_592 = arith.constant 0 : i32
            %dma_start3A_593 = tpu.memref_slice %arg2[%add3A_547, %dma_start3A_592] : memref<4096x200xi32, #tpu.memory_space<hbm>> -> memref<16x200xi32, #tpu.memory_space<hbm>>
            tpu.enqueue_dma source(%dma_start3A_593 : memref<16x200xi32, #tpu.memory_space<hbm>>) target(%dma_start3A_591 : memref<16x200xi32, #tpu.memory_space<vmem>>) target_semaphore(%dma_start3A_587 : memref<!tpu.dma_semaphore, #tpu.memory_space<semaphore_mem>>)
          } else {
          }
        } else {
        }
        %jit3A_353 = arith.constant 4 : i32
        %eq3A_354 = arith.constant 0 : i32
        %eq3A_355 = arith.cmpi eq, %jit3A_353, %eq3A_354 : i32
        %jit3A_356 = arith.constant 1 : i32
        %select_n3A_357 = arith.select %eq3A_355, %jit3A_356, %jit3A_353 : i32
        %rem3A_358 = arith.remsi %add3A_331, %select_n3A_357 : i32
        %ne3A_359 = arith.constant 0 : i32
        %ne3A_360 = arith.cmpi ne, %rem3A_358, %ne3A_359 : i32
        %lt3A_361 = arith.constant 0 : i32
        %lt3A_362 = arith.cmpi slt, %rem3A_358, %lt3A_361 : i32
        %lt3A_363 = arith.constant 0 : i32
        %lt3A_364 = arith.cmpi slt, %select_n3A_357, %lt3A_363 : i32
        %ne3A_365 = arith.xori %lt3A_362, %lt3A_364 : i1
        %and3A_366 = arith.andi %ne3A_365, %ne3A_360 : i1
        %add3A_367 = arith.addi %rem3A_358, %select_n3A_357 : i32
        %select_n3A_368 = arith.select %and3A_366, %add3A_367, %rem3A_358 : i32
        %dma_wait3A_369 = arith.constant 0 : i32
        %dma_wait3A_370 = arith.constant 0 : i32
        %dma_wait3A_371 = tpu.memref_slice %arg7[%select_n3A_368, %dma_wait3A_369, %dma_wait3A_370] : memref<4x200x64xf32, #tpu.memory_space<vmem>> -> memref<1x200x64xf32, #tpu.memory_space<vmem>>
        %dma_wait3A_372 = tpu.memref_squeeze %dma_wait3A_371 : memref<1x200x64xf32, #tpu.memory_space<vmem>> -> memref<200x64xf32, #tpu.memory_space<vmem>>
        %dma_wait3A_373 = tpu.memref_slice %arg10[%select_n3A_368] : memref<4x!tpu.dma_semaphore, #tpu.memory_space<semaphore_mem>> -> memref<1x!tpu.dma_semaphore, #tpu.memory_space<semaphore_mem>>
        %dma_wait3A_374 = tpu.memref_squeeze %dma_wait3A_373 : memref<1x!tpu.dma_semaphore, #tpu.memory_space<semaphore_mem>> -> memref<!tpu.dma_semaphore, #tpu.memory_space<semaphore_mem>>
        %dma_wait3A_375 = arith.constant 0 : i32
        %dma_wait3A_376 = arith.constant 0 : i32
        %dma_wait3A_377 = tpu.memref_slice %arg7[%select_n3A_368, %dma_wait3A_375, %dma_wait3A_376] : memref<4x200x64xf32, #tpu.memory_space<vmem>> -> memref<1x200x64xf32, #tpu.memory_space<vmem>>
        %dma_wait3A_378 = tpu.memref_squeeze %dma_wait3A_377 : memref<1x200x64xf32, #tpu.memory_space<vmem>> -> memref<200x64xf32, #tpu.memory_space<vmem>>
        tpu.wait_dma2 semaphore(%dma_wait3A_374 : memref<!tpu.dma_semaphore, #tpu.memory_space<semaphore_mem>>) src(%arg8 : memref<200x64xf32, #tpu.memory_space<vmem_shared>>) dst(%dma_wait3A_378 : memref<200x64xf32, #tpu.memory_space<vmem>>)
        %jit3A_379 = arith.constant 4 : i32
        %eq3A_380 = arith.constant 0 : i32
        %eq3A_381 = arith.cmpi eq, %jit3A_379, %eq3A_380 : i32
        %jit3A_382 = arith.constant 1 : i32
        %select_n3A_383 = arith.select %eq3A_381, %jit3A_382, %jit3A_379 : i32
        %rem3A_384 = arith.remsi %add3A_331, %select_n3A_383 : i32
        %ne3A_385 = arith.constant 0 : i32
        %ne3A_386 = arith.cmpi ne, %rem3A_384, %ne3A_385 : i32
        %lt3A_387 = arith.constant 0 : i32
        %lt3A_388 = arith.cmpi slt, %rem3A_384, %lt3A_387 : i32
        %lt3A_389 = arith.constant 0 : i32
        %lt3A_390 = arith.cmpi slt, %select_n3A_383, %lt3A_389 : i32
        %ne3A_391 = arith.xori %lt3A_388, %lt3A_390 : i1
        %and3A_392 = arith.andi %ne3A_391, %ne3A_386 : i1
        %add3A_393 = arith.addi %rem3A_384, %select_n3A_383 : i32
        %select_n3A_394 = arith.select %and3A_392, %add3A_393, %rem3A_384 : i32
        %jit3A_395 = arith.constant 16 : i32
        %div3A_396 = arith.divsi %add3A_331, %jit3A_395 : i32
        %sign3A_397 = arith.constant 0 : i32
        %sign3A_398 = arith.cmpi sgt, %add3A_331, %sign3A_397 : i32
        %sign3A_399 = arith.extui %sign3A_398 : i1 to i32
        %sign3A_400 = arith.constant 0 : i32
        %sign3A_401 = arith.cmpi slt, %add3A_331, %sign3A_400 : i32
        %sign3A_402 = arith.extui %sign3A_401 : i1 to i32
        %sign3A_403 = arith.subi %sign3A_399, %sign3A_402 : i32
        %sign3A_404 = arith.constant 0 : i32
        %sign3A_405 = arith.cmpi sgt, %jit3A_395, %sign3A_404 : i32
        %sign3A_406 = arith.extui %sign3A_405 : i1 to i32
        %sign3A_407 = arith.constant 0 : i32
        %sign3A_408 = arith.cmpi slt, %jit3A_395, %sign3A_407 : i32
        %sign3A_409 = arith.extui %sign3A_408 : i1 to i32
        %sign3A_410 = arith.subi %sign3A_406, %sign3A_409 : i32
        %ne3A_411 = arith.cmpi ne, %sign3A_403, %sign3A_410 : i32
        %rem3A_412 = arith.remsi %add3A_331, %jit3A_395 : i32
        %ne3A_413 = arith.constant 0 : i32
        %ne3A_414 = arith.cmpi ne, %rem3A_412, %ne3A_413 : i32
        %and3A_415 = arith.andi %ne3A_411, %ne3A_414 : i1
        %sub3A_416 = arith.constant 1 : i32
        %sub3A_417 = arith.subi %div3A_396, %sub3A_416 : i32
        %select_n3A_418 = arith.select %and3A_415, %sub3A_417, %div3A_396 : i32
        %jit3A_419 = arith.constant 2 : i32
        %eq3A_420 = arith.constant 0 : i32
        %eq3A_421 = arith.cmpi eq, %jit3A_419, %eq3A_420 : i32
        %jit3A_422 = arith.constant 1 : i32
        %select_n3A_423 = arith.select %eq3A_421, %jit3A_422, %jit3A_419 : i32
        %rem3A_424 = arith.remsi %select_n3A_418, %select_n3A_423 : i32
        %ne3A_425 = arith.constant 0 : i32
        %ne3A_426 = arith.cmpi ne, %rem3A_424, %ne3A_425 : i32
        %lt3A_427 = arith.constant 0 : i32
        %lt3A_428 = arith.cmpi slt, %rem3A_424, %lt3A_427 : i32
        %lt3A_429 = arith.constant 0 : i32
        %lt3A_430 = arith.cmpi slt, %select_n3A_423, %lt3A_429 : i32
        %ne3A_431 = arith.xori %lt3A_428, %lt3A_430 : i1
        %and3A_432 = arith.andi %ne3A_431, %ne3A_426 : i1
        %add3A_433 = arith.addi %rem3A_424, %select_n3A_423 : i32
        %select_n3A_434 = arith.select %and3A_432, %add3A_433, %rem3A_424 : i32
        %jit3A_435 = arith.constant 16 : i32
        %eq3A_436 = arith.constant 0 : i32
        %eq3A_437 = arith.cmpi eq, %jit3A_435, %eq3A_436 : i32
        %jit3A_438 = arith.constant 1 : i32
        %select_n3A_439 = arith.select %eq3A_437, %jit3A_438, %jit3A_435 : i32
        %rem3A_440 = arith.remsi %add3A_331, %select_n3A_439 : i32
        %ne3A_441 = arith.constant 0 : i32
        %ne3A_442 = arith.cmpi ne, %rem3A_440, %ne3A_441 : i32
        %lt3A_443 = arith.constant 0 : i32
        %lt3A_444 = arith.cmpi slt, %rem3A_440, %lt3A_443 : i32
        %lt3A_445 = arith.constant 0 : i32
        %lt3A_446 = arith.cmpi slt, %select_n3A_439, %lt3A_445 : i32
        %ne3A_447 = arith.xori %lt3A_444, %lt3A_446 : i1
        %and3A_448 = arith.andi %ne3A_447, %ne3A_442 : i1
        %add3A_449 = arith.addi %rem3A_440, %select_n3A_439 : i32
        %select_n3A_450 = arith.select %and3A_448, %add3A_449, %rem3A_440 : i32
        %dma_start3A_451 = arith.constant 0 : i32
        %dma_start3A_452 = arith.constant 0 : i32
        %dma_start3A_453 = tpu.memref_slice %arg7[%select_n3A_394, %dma_start3A_451, %dma_start3A_452] : memref<4x200x64xf32, #tpu.memory_space<vmem>> -> memref<1x200x64xf32, #tpu.memory_space<vmem>>
        %dma_start3A_454 = tpu.memref_squeeze %dma_start3A_453 : memref<1x200x64xf32, #tpu.memory_space<vmem>> -> memref<200x64xf32, #tpu.memory_space<vmem>>
        %dma_start3A_455 = arith.constant 0 : i32
        %dma_start3A_456 = tpu.memref_slice %arg6[%select_n3A_434, %select_n3A_450, %dma_start3A_455] : memref<2x16x200xi32, #tpu.memory_space<vmem>> -> memref<1x1x200xi32, #tpu.memory_space<vmem>>
        %dma_start3A_457 = tpu.memref_squeeze %dma_start3A_456 : memref<1x1x200xi32, #tpu.memory_space<vmem>> -> memref<200xi32, #tpu.memory_space<vmem>>
        %dma_start3A_458 = arith.constant 0 : i32
        %dma_start3A_459 = arith.constant 0 : i32
        %dma_start3A_460 = tpu.memref_slice %arg3[%dma_start3A_458, %dma_start3A_459] : memref<1000000x64xf32, #tpu.memory_space<hbm>> -> memref<1000000x64xf32, #tpu.memory_space<hbm>>
        %dma_start3A_461 = tpu.memref_slice %arg11[%select_n3A_394] : memref<4x!tpu.dma_semaphore, #tpu.memory_space<semaphore_mem>> -> memref<1x!tpu.dma_semaphore, #tpu.memory_space<semaphore_mem>>
        %dma_start3A_462 = tpu.memref_squeeze %dma_start3A_461 : memref<1x!tpu.dma_semaphore, #tpu.memory_space<semaphore_mem>> -> memref<!tpu.dma_semaphore, #tpu.memory_space<semaphore_mem>>
        tpu.enqueue_indirect_dma source(%dma_start3A_460 : memref<1000000x64xf32, #tpu.memory_space<hbm>>) target(%dma_start3A_454 : memref<200x64xf32, #tpu.memory_space<vmem>>) offsets(%dma_start3A_457 : memref<200xi32, #tpu.memory_space<vmem>>) semaphore(%dma_start3A_462 : memref<!tpu.dma_semaphore, #tpu.memory_space<semaphore_mem>>) {add = true}
      } else {
      }
      %add3A_323 = arith.constant 2 : i32
      %add3A_324 = arith.addi %add3A_205, %add3A_323 : i32
      %lt3A_325 = arith.constant 128 : i32
      %lt3A_326 = arith.cmpi slt, %add3A_324, %lt3A_325 : i32
      %convert_element_type3A_327 = arith.extui %lt3A_326 : i1 to i32
      %cond3A_328 = arith.constant 0 : i32
      %cond3A_329 = arith.cmpi ne, %convert_element_type3A_327, %cond3A_328 : i32
      scf.if %cond3A_329 {
        %ge3A = arith.constant 2 : i32
        %ge3A_330 = arith.cmpi sge, %add3A_205, %ge3A : i32
        %convert_element_type3A_331 = arith.extui %ge3A_330 : i1 to i32
        %cond3A_332 = arith.constant 0 : i32
        %cond3A_333 = arith.cmpi ne, %convert_element_type3A_331, %cond3A_332 : i32
        scf.if %cond3A_333 {
          %sub3A_362 = arith.constant 2 : i32
          %sub3A_363 = arith.subi %add3A_205, %sub3A_362 : i32
          %jit3A_364 = arith.constant 4 : i32
          %eq3A_365 = arith.constant 0 : i32
          %eq3A_366 = arith.cmpi eq, %jit3A_364, %eq3A_365 : i32
          %jit3A_367 = arith.constant 1 : i32
          %select_n3A_368 = arith.select %eq3A_366, %jit3A_367, %jit3A_364 : i32
          %rem3A_369 = arith.remsi %sub3A_363, %select_n3A_368 : i32
          %ne3A_370 = arith.constant 0 : i32
          %ne3A_371 = arith.cmpi ne, %rem3A_369, %ne3A_370 : i32
          %lt3A_372 = arith.constant 0 : i32
          %lt3A_373 = arith.cmpi slt, %rem3A_369, %lt3A_372 : i32
          %lt3A_374 = arith.constant 0 : i32
          %lt3A_375 = arith.cmpi slt, %select_n3A_368, %lt3A_374 : i32
          %ne3A_376 = arith.xori %lt3A_373, %lt3A_375 : i1
          %and3A_377 = arith.andi %ne3A_376, %ne3A_371 : i1
          %add3A_378 = arith.addi %rem3A_369, %select_n3A_368 : i32
          %select_n3A_379 = arith.select %and3A_377, %add3A_378, %rem3A_369 : i32
          %add3A_380 = arith.addi %mul3A_2, %sub3A_363 : i32
          %dma_wait3A_381 = arith.constant 0 : i32
          %dma_wait3A_382 = arith.constant 0 : i32
          %dma_wait3A_383 = tpu.memref_slice %arg7[%select_n3A_379, %dma_wait3A_381, %dma_wait3A_382] : memref<4x200x64xf32, #tpu.memory_space<vmem>> -> memref<1x200x64xf32, #tpu.memory_space<vmem>>
          %dma_wait3A_384 = tpu.memref_squeeze %dma_wait3A_383 : memref<1x200x64xf32, #tpu.memory_space<vmem>> -> memref<200x64xf32, #tpu.memory_space<vmem>>
          %dma_wait3A_385 = arith.constant 0 : i32
          %dma_wait3A_386 = arith.constant 0 : i32
          %dma_wait3A_387 = tpu.memref_slice %arg5[%add3A_380, %dma_wait3A_385, %dma_wait3A_386] : memref<4096x200x64xf32, #tpu.memory_space<hbm>> -> memref<1x200x64xf32, #tpu.memory_space<hbm>>
          %dma_wait3A_388 = tpu.memref_squeeze %dma_wait3A_387 : memref<1x200x64xf32, #tpu.memory_space<hbm>> -> memref<200x64xf32, #tpu.memory_space<hbm>>
          %dma_wait3A_389 = tpu.memref_slice %arg12[%select_n3A_379] : memref<4x!tpu.dma_semaphore, #tpu.memory_space<semaphore_mem>> -> memref<1x!tpu.dma_semaphore, #tpu.memory_space<semaphore_mem>>
          %dma_wait3A_390 = tpu.memref_squeeze %dma_wait3A_389 : memref<1x!tpu.dma_semaphore, #tpu.memory_space<semaphore_mem>> -> memref<!tpu.dma_semaphore, #tpu.memory_space<semaphore_mem>>
          %dma_wait3A_391 = arith.constant 0 : i32
          %dma_wait3A_392 = arith.constant 0 : i32
          %dma_wait3A_393 = tpu.memref_slice %arg5[%add3A_380, %dma_wait3A_391, %dma_wait3A_392] : memref<4096x200x64xf32, #tpu.memory_space<hbm>> -> memref<1x200x64xf32, #tpu.memory_space<hbm>>
          %dma_wait3A_394 = tpu.memref_squeeze %dma_wait3A_393 : memref<1x200x64xf32, #tpu.memory_space<hbm>> -> memref<200x64xf32, #tpu.memory_space<hbm>>
          %dma_wait3A_395 = arith.constant 0 : i32
          %dma_wait3A_396 = arith.constant 0 : i32
          %dma_wait3A_397 = tpu.memref_slice %arg7[%select_n3A_379, %dma_wait3A_395, %dma_wait3A_396] : memref<4x200x64xf32, #tpu.memory_space<vmem>> -> memref<1x200x64xf32, #tpu.memory_space<vmem>>
          %dma_wait3A_398 = tpu.memref_squeeze %dma_wait3A_397 : memref<1x200x64xf32, #tpu.memory_space<vmem>> -> memref<200x64xf32, #tpu.memory_space<vmem>>
          tpu.wait_dma2 semaphore(%dma_wait3A_390 : memref<!tpu.dma_semaphore, #tpu.memory_space<semaphore_mem>>) src(%dma_wait3A_398 : memref<200x64xf32, #tpu.memory_space<vmem>>) dst(%dma_wait3A_394 : memref<200x64xf32, #tpu.memory_space<hbm>>)
        } else {
        }
        %add3A_334 = arith.constant 2 : i32
        %add3A_335 = arith.addi %add3A_205, %add3A_334 : i32
        %jit3A_336 = arith.constant 4 : i32
        %eq3A_337 = arith.constant 0 : i32
        %eq3A_338 = arith.cmpi eq, %jit3A_336, %eq3A_337 : i32
        %jit3A_339 = arith.constant 1 : i32
        %select_n3A_340 = arith.select %eq3A_338, %jit3A_339, %jit3A_336 : i32
        %rem3A_341 = arith.remsi %add3A_335, %select_n3A_340 : i32
        %ne3A_342 = arith.constant 0 : i32
        %ne3A_343 = arith.cmpi ne, %rem3A_341, %ne3A_342 : i32
        %lt3A_344 = arith.constant 0 : i32
        %lt3A_345 = arith.cmpi slt, %rem3A_341, %lt3A_344 : i32
        %lt3A_346 = arith.constant 0 : i32
        %lt3A_347 = arith.cmpi slt, %select_n3A_340, %lt3A_346 : i32
        %ne3A_348 = arith.xori %lt3A_345, %lt3A_347 : i1
        %and3A_349 = arith.andi %ne3A_348, %ne3A_343 : i1
        %add3A_350 = arith.addi %rem3A_341, %select_n3A_340 : i32
        %select_n3A_351 = arith.select %and3A_349, %add3A_350, %rem3A_341 : i32
        %dma_start3A_352 = arith.constant 0 : i32
        %dma_start3A_353 = arith.constant 0 : i32
        %dma_start3A_354 = tpu.memref_slice %arg7[%select_n3A_351, %dma_start3A_352, %dma_start3A_353] : memref<4x200x64xf32, #tpu.memory_space<vmem>> -> memref<1x200x64xf32, #tpu.memory_space<vmem>>
        %dma_start3A_355 = tpu.memref_squeeze %dma_start3A_354 : memref<1x200x64xf32, #tpu.memory_space<vmem>> -> memref<200x64xf32, #tpu.memory_space<vmem>>
        %dma_start3A_356 = tpu.memref_slice %arg10[%select_n3A_351] : memref<4x!tpu.dma_semaphore, #tpu.memory_space<semaphore_mem>> -> memref<1x!tpu.dma_semaphore, #tpu.memory_space<semaphore_mem>>
        %dma_start3A_357 = tpu.memref_squeeze %dma_start3A_356 : memref<1x!tpu.dma_semaphore, #tpu.memory_space<semaphore_mem>> -> memref<!tpu.dma_semaphore, #tpu.memory_space<semaphore_mem>>
        %dma_start3A_358 = arith.constant 0 : i32
        %dma_start3A_359 = arith.constant 0 : i32
        %dma_start3A_360 = tpu.memref_slice %arg7[%select_n3A_351, %dma_start3A_358, %dma_start3A_359] : memref<4x200x64xf32, #tpu.memory_space<vmem>> -> memref<1x200x64xf32, #tpu.memory_space<vmem>>
        %dma_start3A_361 = tpu.memref_squeeze %dma_start3A_360 : memref<1x200x64xf32, #tpu.memory_space<vmem>> -> memref<200x64xf32, #tpu.memory_space<vmem>>
        tpu.enqueue_dma source(%arg8 : memref<200x64xf32, #tpu.memory_space<vmem_shared>>) target(%dma_start3A_361 : memref<200x64xf32, #tpu.memory_space<vmem>>) target_semaphore(%dma_start3A_357 : memref<!tpu.dma_semaphore, #tpu.memory_space<semaphore_mem>>)
      } else {
      }
    }
    %scan3A_112 = arith.constant 128 : i32
    %add3A_113 = arith.constant 124 : i32
    %add3A_114 = arith.addi %mul3A_2, %add3A_113 : i32
    %dma_wait3A_115 = arith.constant 0 : i32
    %dma_wait3A_116 = arith.constant 0 : i32
    %dma_wait3A_117 = arith.constant 0 : i32
    %dma_wait3A_118 = arith.constant 0 : i32
    %dma_wait3A_119 = tpu.memref_slice %arg7[%dma_wait3A_115, %dma_wait3A_117, %dma_wait3A_118] : memref<4x200x64xf32, #tpu.memory_space<vmem>> -> memref<1x200x64xf32, #tpu.memory_space<vmem>>
    %dma_wait3A_120 = tpu.memref_squeeze %dma_wait3A_119 : memref<1x200x64xf32, #tpu.memory_space<vmem>> -> memref<200x64xf32, #tpu.memory_space<vmem>>
    %dma_wait3A_121 = arith.constant 0 : i32
    %dma_wait3A_122 = arith.constant 0 : i32
    %dma_wait3A_123 = tpu.memref_slice %arg5[%add3A_114, %dma_wait3A_121, %dma_wait3A_122] : memref<4096x200x64xf32, #tpu.memory_space<hbm>> -> memref<1x200x64xf32, #tpu.memory_space<hbm>>
    %dma_wait3A_124 = tpu.memref_squeeze %dma_wait3A_123 : memref<1x200x64xf32, #tpu.memory_space<hbm>> -> memref<200x64xf32, #tpu.memory_space<hbm>>
    %dma_wait3A_125 = tpu.memref_slice %arg12[%dma_wait3A_116] : memref<4x!tpu.dma_semaphore, #tpu.memory_space<semaphore_mem>> -> memref<1x!tpu.dma_semaphore, #tpu.memory_space<semaphore_mem>>
    %dma_wait3A_126 = tpu.memref_squeeze %dma_wait3A_125 : memref<1x!tpu.dma_semaphore, #tpu.memory_space<semaphore_mem>> -> memref<!tpu.dma_semaphore, #tpu.memory_space<semaphore_mem>>
    %dma_wait3A_127 = arith.constant 0 : i32
    %dma_wait3A_128 = arith.constant 0 : i32
    %dma_wait3A_129 = tpu.memref_slice %arg5[%add3A_114, %dma_wait3A_127, %dma_wait3A_128] : memref<4096x200x64xf32, #tpu.memory_space<hbm>> -> memref<1x200x64xf32, #tpu.memory_space<hbm>>
    %dma_wait3A_130 = tpu.memref_squeeze %dma_wait3A_129 : memref<1x200x64xf32, #tpu.memory_space<hbm>> -> memref<200x64xf32, #tpu.memory_space<hbm>>
    %dma_wait3A_131 = arith.constant 0 : i32
    %dma_wait3A_132 = arith.constant 0 : i32
    %dma_wait3A_133 = tpu.memref_slice %arg7[%dma_wait3A_115, %dma_wait3A_131, %dma_wait3A_132] : memref<4x200x64xf32, #tpu.memory_space<vmem>> -> memref<1x200x64xf32, #tpu.memory_space<vmem>>
    %dma_wait3A_134 = tpu.memref_squeeze %dma_wait3A_133 : memref<1x200x64xf32, #tpu.memory_space<vmem>> -> memref<200x64xf32, #tpu.memory_space<vmem>>
    tpu.wait_dma2 semaphore(%dma_wait3A_126 : memref<!tpu.dma_semaphore, #tpu.memory_space<semaphore_mem>>) src(%dma_wait3A_134 : memref<200x64xf32, #tpu.memory_space<vmem>>) dst(%dma_wait3A_130 : memref<200x64xf32, #tpu.memory_space<hbm>>)
    %add3A_135 = arith.constant 125 : i32
    %add3A_136 = arith.addi %mul3A_2, %add3A_135 : i32
    %dma_wait3A_137 = arith.constant 1 : i32
    %dma_wait3A_138 = arith.constant 1 : i32
    %dma_wait3A_139 = arith.constant 0 : i32
    %dma_wait3A_140 = arith.constant 0 : i32
    %dma_wait3A_141 = tpu.memref_slice %arg7[%dma_wait3A_137, %dma_wait3A_139, %dma_wait3A_140] : memref<4x200x64xf32, #tpu.memory_space<vmem>> -> memref<1x200x64xf32, #tpu.memory_space<vmem>>
    %dma_wait3A_142 = tpu.memref_squeeze %dma_wait3A_141 : memref<1x200x64xf32, #tpu.memory_space<vmem>> -> memref<200x64xf32, #tpu.memory_space<vmem>>
    %dma_wait3A_143 = arith.constant 0 : i32
    %dma_wait3A_144 = arith.constant 0 : i32
    %dma_wait3A_145 = tpu.memref_slice %arg5[%add3A_136, %dma_wait3A_143, %dma_wait3A_144] : memref<4096x200x64xf32, #tpu.memory_space<hbm>> -> memref<1x200x64xf32, #tpu.memory_space<hbm>>
    %dma_wait3A_146 = tpu.memref_squeeze %dma_wait3A_145 : memref<1x200x64xf32, #tpu.memory_space<hbm>> -> memref<200x64xf32, #tpu.memory_space<hbm>>
    %dma_wait3A_147 = tpu.memref_slice %arg12[%dma_wait3A_138] : memref<4x!tpu.dma_semaphore, #tpu.memory_space<semaphore_mem>> -> memref<1x!tpu.dma_semaphore, #tpu.memory_space<semaphore_mem>>
    %dma_wait3A_148 = tpu.memref_squeeze %dma_wait3A_147 : memref<1x!tpu.dma_semaphore, #tpu.memory_space<semaphore_mem>> -> memref<!tpu.dma_semaphore, #tpu.memory_space<semaphore_mem>>
    %dma_wait3A_149 = arith.constant 0 : i32
    %dma_wait3A_150 = arith.constant 0 : i32
    %dma_wait3A_151 = tpu.memref_slice %arg5[%add3A_136, %dma_wait3A_149, %dma_wait3A_150] : memref<4096x200x64xf32, #tpu.memory_space<hbm>> -> memref<1x200x64xf32, #tpu.memory_space<hbm>>
    %dma_wait3A_152 = tpu.memref_squeeze %dma_wait3A_151 : memref<1x200x64xf32, #tpu.memory_space<hbm>> -> memref<200x64xf32, #tpu.memory_space<hbm>>
    %dma_wait3A_153 = arith.constant 0 : i32
    %dma_wait3A_154 = arith.constant 0 : i32
    %dma_wait3A_155 = tpu.memref_slice %arg7[%dma_wait3A_137, %dma_wait3A_153, %dma_wait3A_154] : memref<4x200x64xf32, #tpu.memory_space<vmem>> -> memref<1x200x64xf32, #tpu.memory_space<vmem>>
    %dma_wait3A_156 = tpu.memref_squeeze %dma_wait3A_155 : memref<1x200x64xf32, #tpu.memory_space<vmem>> -> memref<200x64xf32, #tpu.memory_space<vmem>>
    tpu.wait_dma2 semaphore(%dma_wait3A_148 : memref<!tpu.dma_semaphore, #tpu.memory_space<semaphore_mem>>) src(%dma_wait3A_156 : memref<200x64xf32, #tpu.memory_space<vmem>>) dst(%dma_wait3A_152 : memref<200x64xf32, #tpu.memory_space<hbm>>)
    %add3A_157 = arith.constant 126 : i32
    %add3A_158 = arith.addi %mul3A_2, %add3A_157 : i32
    %dma_wait3A_159 = arith.constant 2 : i32
    %dma_wait3A_160 = arith.constant 2 : i32
    %dma_wait3A_161 = arith.constant 0 : i32
    %dma_wait3A_162 = arith.constant 0 : i32
    %dma_wait3A_163 = tpu.memref_slice %arg7[%dma_wait3A_159, %dma_wait3A_161, %dma_wait3A_162] : memref<4x200x64xf32, #tpu.memory_space<vmem>> -> memref<1x200x64xf32, #tpu.memory_space<vmem>>
    %dma_wait3A_164 = tpu.memref_squeeze %dma_wait3A_163 : memref<1x200x64xf32, #tpu.memory_space<vmem>> -> memref<200x64xf32, #tpu.memory_space<vmem>>
    %dma_wait3A_165 = arith.constant 0 : i32
    %dma_wait3A_166 = arith.constant 0 : i32
    %dma_wait3A_167 = tpu.memref_slice %arg5[%add3A_158, %dma_wait3A_165, %dma_wait3A_166] : memref<4096x200x64xf32, #tpu.memory_space<hbm>> -> memref<1x200x64xf32, #tpu.memory_space<hbm>>
    %dma_wait3A_168 = tpu.memref_squeeze %dma_wait3A_167 : memref<1x200x64xf32, #tpu.memory_space<hbm>> -> memref<200x64xf32, #tpu.memory_space<hbm>>
    %dma_wait3A_169 = tpu.memref_slice %arg12[%dma_wait3A_160] : memref<4x!tpu.dma_semaphore, #tpu.memory_space<semaphore_mem>> -> memref<1x!tpu.dma_semaphore, #tpu.memory_space<semaphore_mem>>
    %dma_wait3A_170 = tpu.memref_squeeze %dma_wait3A_169 : memref<1x!tpu.dma_semaphore, #tpu.memory_space<semaphore_mem>> -> memref<!tpu.dma_semaphore, #tpu.memory_space<semaphore_mem>>
    %dma_wait3A_171 = arith.constant 0 : i32
    %dma_wait3A_172 = arith.constant 0 : i32
    %dma_wait3A_173 = tpu.memref_slice %arg5[%add3A_158, %dma_wait3A_171, %dma_wait3A_172] : memref<4096x200x64xf32, #tpu.memory_space<hbm>> -> memref<1x200x64xf32, #tpu.memory_space<hbm>>
    %dma_wait3A_174 = tpu.memref_squeeze %dma_wait3A_173 : memref<1x200x64xf32, #tpu.memory_space<hbm>> -> memref<200x64xf32, #tpu.memory_space<hbm>>
    %dma_wait3A_175 = arith.constant 0 : i32
    %dma_wait3A_176 = arith.constant 0 : i32
    %dma_wait3A_177 = tpu.memref_slice %arg7[%dma_wait3A_159, %dma_wait3A_175, %dma_wait3A_176] : memref<4x200x64xf32, #tpu.memory_space<vmem>> -> memref<1x200x64xf32, #tpu.memory_space<vmem>>
    %dma_wait3A_178 = tpu.memref_squeeze %dma_wait3A_177 : memref<1x200x64xf32, #tpu.memory_space<vmem>> -> memref<200x64xf32, #tpu.memory_space<vmem>>
    tpu.wait_dma2 semaphore(%dma_wait3A_170 : memref<!tpu.dma_semaphore, #tpu.memory_space<semaphore_mem>>) src(%dma_wait3A_178 : memref<200x64xf32, #tpu.memory_space<vmem>>) dst(%dma_wait3A_174 : memref<200x64xf32, #tpu.memory_space<hbm>>)
    %add3A_179 = arith.constant 127 : i32
    %add3A_180 = arith.addi %mul3A_2, %add3A_179 : i32
    %dma_wait3A_181 = arith.constant 3 : i32
    %dma_wait3A_182 = arith.constant 3 : i32
    %dma_wait3A_183 = arith.constant 0 : i32
    %dma_wait3A_184 = arith.constant 0 : i32
    %dma_wait3A_185 = tpu.memref_slice %arg7[%dma_wait3A_181, %dma_wait3A_183, %dma_wait3A_184] : memref<4x200x64xf32, #tpu.memory_space<vmem>> -> memref<1x200x64xf32, #tpu.memory_space<vmem>>
    %dma_wait3A_186 = tpu.memref_squeeze %dma_wait3A_185 : memref<1x200x64xf32, #tpu.memory_space<vmem>> -> memref<200x64xf32, #tpu.memory_space<vmem>>
    %dma_wait3A_187 = arith.constant 0 : i32
    %dma_wait3A_188 = arith.constant 0 : i32
    %dma_wait3A_189 = tpu.memref_slice %arg5[%add3A_180, %dma_wait3A_187, %dma_wait3A_188] : memref<4096x200x64xf32, #tpu.memory_space<hbm>> -> memref<1x200x64xf32, #tpu.memory_space<hbm>>
    %dma_wait3A_190 = tpu.memref_squeeze %dma_wait3A_189 : memref<1x200x64xf32, #tpu.memory_space<hbm>> -> memref<200x64xf32, #tpu.memory_space<hbm>>
    %dma_wait3A_191 = tpu.memref_slice %arg12[%dma_wait3A_182] : memref<4x!tpu.dma_semaphore, #tpu.memory_space<semaphore_mem>> -> memref<1x!tpu.dma_semaphore, #tpu.memory_space<semaphore_mem>>
    %dma_wait3A_192 = tpu.memref_squeeze %dma_wait3A_191 : memref<1x!tpu.dma_semaphore, #tpu.memory_space<semaphore_mem>> -> memref<!tpu.dma_semaphore, #tpu.memory_space<semaphore_mem>>
    %dma_wait3A_193 = arith.constant 0 : i32
    %dma_wait3A_194 = arith.constant 0 : i32
    %dma_wait3A_195 = tpu.memref_slice %arg5[%add3A_180, %dma_wait3A_193, %dma_wait3A_194] : memref<4096x200x64xf32, #tpu.memory_space<hbm>> -> memref<1x200x64xf32, #tpu.memory_space<hbm>>
    %dma_wait3A_196 = tpu.memref_squeeze %dma_wait3A_195 : memref<1x200x64xf32, #tpu.memory_space<hbm>> -> memref<200x64xf32, #tpu.memory_space<hbm>>
    %dma_wait3A_197 = arith.constant 0 : i32
    %dma_wait3A_198 = arith.constant 0 : i32
    %dma_wait3A_199 = tpu.memref_slice %arg7[%dma_wait3A_181, %dma_wait3A_197, %dma_wait3A_198] : memref<4x200x64xf32, #tpu.memory_space<vmem>> -> memref<1x200x64xf32, #tpu.memory_space<vmem>>
    %dma_wait3A_200 = tpu.memref_squeeze %dma_wait3A_199 : memref<1x200x64xf32, #tpu.memory_space<vmem>> -> memref<200x64xf32, #tpu.memory_space<vmem>>
    tpu.wait_dma2 semaphore(%dma_wait3A_192 : memref<!tpu.dma_semaphore, #tpu.memory_space<semaphore_mem>>) src(%dma_wait3A_200 : memref<200x64xf32, #tpu.memory_space<vmem>>) dst(%dma_wait3A_196 : memref<200x64xf32, #tpu.memory_space<hbm>>)
    return
  }
}

</mosaic_0001>

<sc_bundles>
// kernel: _emb.3.cloned.1.call-start
scs
__scs_entry_jumppad:
0x0: {  	(pc) =	sbr.rel $0x88, $3  }
0x1: {  	(tag) =	ssettag $0x0;
	lr =	simm.s32 $0x1  }
0x2: {  	[smem:$0x3F9E] =	sst lr;
	_ =	strace $0xD0000000  }
0x3: {  	_ = 	snop  }
0x4: {  	_ = 	snop  }
0x5: {  	_ = 	snop  }
0x6: {  	_ = 	snop  }
0x7: {  	_ = 	snop  }
__scs_overlays_trampoline_lowered:
0x8: {  	[smem:$0x3FAD] =	sst s0  }
0x9: {  	[smem:$0x3FAE] =	sst s1  }
0xa: {  	[smem:$0x3FAF] =	sst s2  }
0xb: {  	[smem:$0x3FB0] =	sst s3  }
0xc: {  	[smem:$0x3FB1] =	sst s4  }
0xd: {  	[smem:$0x3FB2] =	sst s5  }
0xe: {  	[smem:$0x3FB3] =	sst s6  }
0xf: {  	[smem:$0x3FB4] =	sst s7  }
0x10: {  	[smem:$0x3FB5] =	sst s8  }
0x11: {  	[smem:$0x3FB6] =	sst s9;
	s0 =	simm.s32 @!p0 $0x0  }
0x12: {  	s1 =	sld [smem:$0x3F9C];
	s0 =	simm.s32 @p0 $0x1  }
0x13: {  	[smem:$0x3FB7] =	sst s0;
	s0 =	simm.s32 @!p1 $0x0  }
0x14: {  	s2 =	sld [smem:$0x3F9B];
	s0 =	simm.s32 @p1 $0x1  }
0x15: {  	[smem:$0x3FB8] =	sst s0;
	s0 =	simm.s32 @!p2 $0x0  }
0x16: {  	s3 =	sld [smem:$0x3FDB];
	s0 =	simm.s32 @p2 $0x1  }
0x17: {  	s4 =	simm.s32 $0x1BF5;
	[smem:$0x3FBA] =	sst s0  }
0x18: {  	s0 =	sld [smem:$0x3F9D];
	_ =	swait.ge [sflag:s4], $0x0  }
0x19: {  	s7 =	sld [smem:$0x3F9E]  }
0x1a: {  	s8 =	sadd.s32 $0xFFFFE003, lr  }
0x1b: {  	s9 =	sadd.s32 $0xFFFFFEF7, lr;
	s5 =	simm.s32 $0xFFFFFFFF;
	p2 =	slt.u32 s8, $0xFFFFF086  }
0x1c: {  	p1 =	slt.u32 s9, $0xF7A;
	s5 =	simm.s32 @!p2 $0x0  }
0x1d: {  	s5 =	simm.s32 @p1 $0x1;
	p0 =	seq.s32 s7, s2  }
0x1e: {  	s7 =	smul.u32 @!p0 $0xF7A, s2;
	p2 =	seq.s32 @!p0 s5, $0x0  }
0x1f: {  	s9 =	smul.u32 $0xF7A, s1;
	s8 =	simm.s32 @!p0 $0x1BF5;
	p2 =	por !p2, p0  }
0x20: {  	[sflag:s8] =	ssyncset.s32 @!p0 $0xFFFFF086;
	s6 =	sadd.s32 @!p0 s3, s7;
	s7 =	simm.s32 @!p0 $0x108  }
0x21: {  	s3 =	sadd.s32 s3, s9;
	s6 =	sadd.s32 @!p0 $0x88, s6;
	s7 =	simm.s32 @p2 $0x1082  }
0x22: {  	[simem:s7], [sflag:s8] =	dma.local @!p0 [hbm:s6], $0xF7A  }
0x23: {  	s9 =	sor.u32 $0xD0000000, s2;
	s6 =	simm.s32 $0x108;
	_ =	swait.ge @!p0 [sflag:s8], $0x0  }
0x24: {  	s3 =	sadd.s32 $0x88, s3;
	s6 =	simm.s32 @!p1 $0x1082;
	[sflag:s4] =	ssyncset.s32 $0xFFFFF086  }
0x25: {  	[simem:s6], [sflag:s4] =	dma.local [hbm:s3], $0xF7A  }
0x26: {  	[smem:$0x3F9E] =	sst s1;
	(tag) =	ssettag s2;
	_ =	strace s9  }
0x27: {  	s1 =	sld [smem:$0x3FAE]  }
0x28: {  	s2 =	sld [smem:$0x3FAF]  }
0x29: {  	s4 =	sld [smem:$0x3FB1]  }
0x2a: {  	p0 =	seq.s32 s5, $0x0;
	s5 =	sld [smem:$0x3FB2]  }
0x2b: {  	s6 =	sld [smem:$0x3FB3]  }
0x2c: {  	s7 =	sld [smem:$0x3FB4]  }
0x2d: {  	s3 =	simm.s32 $0x108;
	s8 =	sld [smem:$0x3FB5]  }
0x2e: {  	s3 =	simm.s32 @!p0 $0x1082;
	s9 =	sld [smem:$0x3FB6]  }
0x2f: {  	lr =	sadd.s32 s0, s3;
	s0 =	sld [smem:$0x3FAD]  }
0x30: {  	s3 =	sld [smem:$0x3FB0]  }
0x31: {  	[smem:$0x3FB9] =	sst s10  }
0x32: {  	s10 =	sld [smem:$0x3FB7];
	_ =	sdelay $0x3  }
0x33: {  	p0 =	seq.s32 s10, $0x1;
	s10 =	sld [smem:$0x3FB9];
	_ =	sdelay $0x3  }
0x34: {  	[smem:$0x3FB9] =	sst s10  }
0x35: {  	s10 =	sld [smem:$0x3FB8];
	_ =	sdelay $0x3  }
0x36: {  	p1 =	seq.s32 s10, $0x1;
	s10 =	sld [smem:$0x3FB9];
	_ =	sdelay $0x3  }
0x37: {  	[smem:$0x3FB9] =	sst s10  }
0x38: {  	s10 =	sld [smem:$0x3FBA]  }
0x39: {  	_ = 	snop;
	(pc) =	sbr.ind lr, $3  }
0x3a: {  	_ = 	snop  }
0x3b: {  	_ = 	snop  }
0x3c: {  	p2 =	seq.s32 s10, $0x1;
	s10 =	sld [smem:$0x3FB9]  }
0x3d: {  	_ =	shalt  }
0x3e: {  	_ =	shalt  }
0x3f: {  	_ =	shalt  }
0x40: {  	_ =	shalt  }
0x41: {  	_ =	shalt  }
0x42: {  	_ =	shalt  }
0x43: {  	_ =	shalt  }
0x44: {  	_ =	shalt  }
0x45: {  	_ =	shalt  }
0x46: {  	_ =	shalt  }
0x47: {  	_ =	shalt  }
0x48: {  	_ =	shalt  }
0x49: {  	_ =	shalt  }
0x4a: {  	_ =	shalt  }
0x4b: {  	_ =	shalt  }
0x4c: {  	_ =	shalt  }
0x4d: {  	_ =	shalt  }
0x4e: {  	_ =	shalt  }
0x4f: {  	_ =	shalt  }
0x50: {  	_ =	shalt  }
0x51: {  	_ =	shalt  }
0x52: {  	_ =	shalt  }
0x53: {  	_ =	shalt  }
0x54: {  	_ =	shalt  }
0x55: {  	_ =	shalt  }
0x56: {  	_ =	shalt  }
0x57: {  	_ =	shalt  }
0x58: {  	_ =	shalt  }
0x59: {  	_ =	shalt  }
0x5a: {  	_ =	shalt  }
0x5b: {  	_ =	shalt  }
0x5c: {  	_ =	shalt  }
0x5d: {  	_ =	shalt  }
0x5e: {  	_ =	shalt  }
0x5f: {  	_ =	shalt  }
0x60: {  	_ =	shalt  }
0x61: {  	_ =	shalt  }
0x62: {  	_ =	shalt  }
0x63: {  	_ =	shalt  }
0x64: {  	_ =	shalt  }
0x65: {  	_ =	shalt  }
0x66: {  	_ =	shalt  }
0x67: {  	_ =	shalt  }
0x68: {  	_ =	shalt  }
0x69: {  	_ =	shalt  }
0x6a: {  	_ =	shalt  }
0x6b: {  	_ =	shalt  }
0x6c: {  	_ =	shalt  }
0x6d: {  	_ =	shalt  }
0x6e: {  	_ =	shalt  }
0x6f: {  	_ =	shalt  }
0x70: {  	_ =	shalt  }
0x71: {  	_ =	shalt  }
0x72: {  	_ =	shalt  }
0x73: {  	_ =	shalt  }
0x74: {  	_ =	shalt  }
0x75: {  	_ =	shalt  }
0x76: {  	_ =	shalt  }
0x77: {  	_ =	shalt  }
0x78: {  	_ =	shalt  }
0x79: {  	_ =	shalt  }
0x7a: {  	_ =	shalt  }
0x7b: {  	_ =	shalt  }
0x7c: {  	_ =	shalt  }
0x7d: {  	_ =	shalt  }
0x7e: {  	_ =	shalt  }
0x7f: {  	_ =	shalt  }
0x80: {  	_ =	shalt  }
0x81: {  	_ =	shalt  }
0x82: {  	_ =	shalt  }
0x83: {  	_ =	shalt  }
0x84: {  	_ =	shalt  }
0x85: {  	_ =	shalt  }
0x86: {  	_ =	shalt  }
0x87: {  	_ =	shalt  }
.Lfunc_end0:
.L_simem_size_0:
called_computation.1_lowered:
.L_overlay_start_0:
0x88: {  	s2 =	sld [smem:$0x3FD9]  }
0x89: {  	s3 =	sld [smem:$0x3FFE];
	_ =	sdelay $0x1  }
0x8a: {  	s1 =	srdreg.scid  }
0x8b: {  	s0 =	sand.u32 $0x1, s1  }
0x8c: {  	s17 =	sshll.u32 s0, $0xA;
	s2 =	sadd.s32 s3, s2  }
0x8d: {  	s2 =	sadd.s32 s2, s17  }
0x8e: {  	[smem:$0x3FC5] =	sst s2  }
0x8f: {  	_ = 	snop  }
0x90: {  	s2 =	sld [smem:$0x3FD0];
	(tm) =	ssettm $0x1  }
0x91: {  	s18 =	sld [smem:$0x3FFB];
	_ =	sdelay $0x3  }
0x92: {  	_ =	strace s18  }
0x93: {  	s3 =	sld [smem:$0x3FFC];
	_ =	sdelay $0x3  }
0x94: {  	_ =	strace s3  }
0x95: {  	s3 =	sld [smem:$0x3FFD];
	_ =	sdelay $0x3  }
0x96: {  	_ =	strace s3  }
0x97: {  	_ =	strace $0x8FFFFFFF  }
0x98: {  	s19 =	sld [smem:$0x3FDB];
	_ =	sdelay $0x1  }
0x99: {  	s4 =	simm.s32 $_scs_section_size  }
0x9a: {  	s5 =	simm.s32 $_size__tile_overlayer_lowered;
	s6 =	simm.s32 $_tile_overlayer_lowered  }
0x9b: {  	s22 =	simm.s32 $0x1BFF;
	s21 =	sshll.u32 s6, $0x1;
	s3 =	sadd.s32 s4, s19  }
0x9c: {  	s7 =	simm.s32 $0x0;
	s20 =	sshll.u32 s5, $0x1;
	s5 =	sadd.s32 s21, s3  }
0x9d: {  	[timem:s7], [sflag:s22] =	dma.local [hbm:s5], s20  }
0x9e: {  	_ =	swait.ge [sflag:s22], s20  }
0x9f: {  	s4 =	ssub.s32 $0x0, s20;
	[sflag:s22] =	ssyncset.done $0x0  }
0xa0: {  	[sflag:s22] =	ssyncadd.s32 s4;
	_ =	sdelay $0x1  }
0xa1: {  	s23 =	simm.s32 $0x1B8B  }
0xa2: {  	_ =	swait.ge [sflag:s23], $0x1  }
0xa3: {  	[sflag:s23] =	ssyncset.done $0x0  }
0xa4: {  	s25 =	simm.s32 $0x1B8E;
	s24 =	sld [smem:$0x3FFE];
	[sflag:s23] =	ssyncadd.s32 $0xFFFFFFFF  }
0xa5: {  	s26 =	simm.s32 $execute0_lowered;
	[smem:$0x3FD2] =	sst s25  }
0xa6: {  	s5 =	sshll.u32 s26, $0x1;
	_ =	strace $0x80000046;
	[dreg:$0x1] =	wrdreg $0xFFFFFFFF  }
0xa7: {  	s28 =	simm.s32 $_size_execute0_lowered;
	s3 =	sadd.s32 s3, s5;
	[dreg:$0x0] =	wrdreg $0x0  }
0xa8: {  	s5 =	sshll.u32 s28, $0x1;
	[dreg:$0x2] =	wrdreg s3  }
0xa9: {  	[dreg:$0x3] =	wrdreg s5  }
0xaa: {  	[dreg:$0x4] =	wrdreg $0xC0  }
0xab: {  	_ =	task [dreg:s7], $0x5FFFF  }
0xac: {  	[dreg:$0x1] =	wrdreg $0xFFFFFFFF  }
0xad: {  	[dreg:$0x0] =	wrdreg $0x60  }
0xae: {  	[dreg:$0x2] =	wrdreg s24  }
0xaf: {  	[dreg:$0x3] =	wrdreg s2  }
0xb0: {  	[dreg:$0x4] =	wrdreg $0xE1000  }
0xb1: {  	[dreg:$0x5] =	wrdreg $0x9  }
0xb2: {  	_ =	task.clear_ibuf [dreg:s7], $0x6FFFF;
	_ =	strace $0x90000046  }
0xb3: {  	s29 =	simm.s32 $0x9;
	_ =	strace $0x80000048  }
0xb4: {  	_ =	swait.ge [sflag:s29], $0x1  }
0xb5: {  	[sflag:s29] =	ssyncadd.s32 $0xFFFFFFFF  }
0xb6: {  	_ =	strace $0x90000048  }
0xb7: {  	_ =	sfence  }
0xb8: {  	s30 =	sld [smem:$0x0];
	_ =	sdelay $0x2  }
0xb9: {  	s31 =	sshll.u32 s1, $0xD;
	s1 =	sshrl.u32 s1, $0x2  }
0xba: {  	s3 =	sand.u32 $0x4000, s31;
	s1 =	sadd.s32 s1, s30  }
0xbb: {  	s0 =	sor.u32 s3, s0;
	s1 =	sshll.u32 s1, $0x11  }
0xbc: {  	s0 =	sor.u32 s1, s0  }
0xbd: {  	s0 =	sadd.s32 $0x8F2B, s0  }
0xbe: {  	[sflag:s0] =	ssyncadd.remote.s32 $0x1  }
0xbf: {  	_ =	sfence.sel $0xFFFF  }
0xc0: {  	[dreg:$0x0] =	wrdreg $0xFFFFFFFF;
	(pc) =	sbr.abs _section_cstart, $3  }
0xc1: {  	[dreg:$0x1] =	wrdreg $0xFFFFFFFF  }
0xc2: {  	_ =	task.clear_ibuf [dreg:s7], $0x2FFFF;
	_ =	strace $0x9FFFFFFF  }
0xc3: {  	(tm) =	ssettm $0x7FFFFFFF  }
tec
execute0_lowered:
.L_overlay_start_1:
0x0: {  	(tag) =	ssettag $0x1  }
0x1: {  	s0 =	rddreg [dreg:$0x0]  }
0x2: {  	s10 =	rddreg [dreg:$0x1]  }
0x3: {  	s1 =	rddreg [dreg:$0x2];
	s3 =	srdreg.scid  }
0x4: {  	s2 =	simm.s32 $0x0;
	s11 =	stileid.u32;
	s17 =	simm.s32 $0x3  }
0x5: {  	s18 =	simm.s32 $0xC8;
	s19 =	simm.s32 $0x9;
	s21 =	simm.s32 $0xA  }
0x6: {  	s23 =	simm.s32 $0xB;
	s28 =	simm.s32 $0x0;
	s12 =	sand.u32 $0x1, s3  }
0x7: {  	[smem:$0x7FF] =	sst s2;
	s4 =	sshll.u32 s11, $0x8;
	s3 =	sadd.s32 $0xC00, s0  }
0x8: {  	s14 =	smul.u32 $0x64000, s11;
	p0 =	sne.s32 s11, $0x0;
	s5 =	sshll.u32 s12, $0x7  }
0x9: {  	_ =	strace $0x80000047;
	s7 =	ssub.s32 $0x2, s12;
	s26 =	smul.u32 $0x32000, s12  }
0xa: {  	s4 =	sor.u32 s5, s4;
	s5 =	sadd.s32 $0xF43000, s0;
	s0 =	sadd.s32 $0x19C00, s0  }
0xb: {  	s24 =	sshrl.u32 s7, $0x1;
	s30 =	sadd.s32 s14, s10;
	s8 =	smul.u32 $0xC8, s4  }
0xc: {  	[dreg:$0x4] =	wrdreg s0;
	s9 =	smul.u32 $0x19, s4;
	s0 =	ssub.s32 s7, s24  }
0xd: {  	s13 =	smul.u32 $0x640, s4;
	s11 =	sadd.s32 s26, s30;
	s0 =	smax.u32 s0, $0x1  }
0xe: {  	s8 =	sshrl.u32 s8, $0x3;
	s6 =	sadd.s32 s3, s9;
	[dreg:$0x7] =	wrdreg s0  }
0xf: {  	s29 =	sadd.s32 s10, s13;
	s0 =	sshrl.u32 @!p0 s1, $0x3;
	[dreg:$0x5] =	wrdreg s6  }
0x10: {  	s8 =	sadd.s32 s3, s8;
	s31 =	sadd.s32 $0x319C0, s29;
	[dreg:$0x9] =	wrdreg s0  }
0x11: {  	s24 =	simm.s32 $0xC;
	s25 =	sadd.s32 $0x190, s8;
	[dreg:$0x8] =	wrdreg s31  }
0x12: {  	s26 =	simm.s32 $0xE;
	[dreg:$0x6] =	wrdreg s25;
	s25 =	simm.s32 $0xD  }
.LBB2_1:
0x13: {  	s6 =	rddreg [dreg:$0x4]  }
0x14: {  	s0 =	simm.s32 @!p0 $0x1C0F;
	s7 =	rddreg [dreg:$0x9]  }
0x15: {  	[spmem:s7], [sflag:s0] =	dma.local @!p0 [hbm:s6], $0x640  }
0x16: {  	s0 =	simm.s32 @!p0 $0xF  }
0x17: {  	_ =	swait.ge @!p0 [sflag:s0], $0x640  }
0x18: {  	[sflag:s0] =	ssyncset.done @!p0 $0x0  }
0x19: {  	[sflag:s0] =	ssyncadd.s32 @!p0 $0xFFFFF9C0  }
0x1a: {  	[bflag:$0x0] =	sbarrier.arrive $0xFFFF  }
0x1b: {  	s7 =	rddreg [dreg:$0x5]  }
0x1c: {  	[tilespmem:s2], [sflag:$0x1] =	stream.linear.gather [hbm4b:s7+s2], $0xC80, $0x38;
	[tilespmem:$0xE420] =	vst v63  }
0x1d: {  	s9 =	simm.s32 $0xC80;
	s8 =	rddreg [dreg:$0x6]  }
0x1e: {  	[tilespmem:s9], [sflag:$0x2] =	stream.linear.gather [hbm4b:s8+s2], $0xC80, $0x38;
	[tilespmem:$0xE420] =	vst v63  }
0x1f: {  	s10 =	simm.s32 $0x1900  }
0x20: {  	[tilespmem:s10], [sflag:$0x3] =	stream.linear.gather [spmem:s1], $0x3200, $0x38;
	[tilespmem:$0xE420] =	vst v63  }
0x21: {  	s12 =	simm.s32 $0x4B00;
	s13 =	simm.s32 $0x1;
	s29 =	simm.s32 $0x1  }
0x22: {  	[tilespmem:s12], [sflag:$0x4] =	stream.linear.gather [spmem:s1], $0x3200, $0x38;
	[tilespmem:$0xE420] =	vst v63  }
0x23: {  	s14 =	sand.u32 $0x3, s29;
	_ =	swait.ge [sflag:s13], $0xC80  }
0x24: {  	s16 =	smul.u32 $0xC800, s14;
	s0 =	sand.u32 $0x3, s2;
	[sflag:s13] =	ssyncset.done $0x0  }
0x25: {  	s15 =	smul.u32 $0xC800, s0;
	[sflag:s13] =	ssyncadd.s32 $0xFFFFF380  }
0x26: {  	s30 =	sadd.s32 $0x7, s0;
	s13 =	sand.u32 $0xF, s29;
	_ =	swait.ge [sflag:s17], $0x3200  }
0x27: {  	s15 =	sshrl.u32 s15, $0x2;
	p1 =	sne.s32 s13, $0x0;
	[sflag:s17] =	ssyncset.done $0x0  }
0x28: {  	s15 =	sadd.s32 $0x1900, s15;
	p2 =	por @!p1 $0x0, $0x0;
	[sflag:s17] =	ssyncadd.s32 $0xFFFFCE00  }
0x29: {  	[tilespmem:s10], [sflag:$0x7] =	stream.indirect.gather.add.f32 [hbm:s5], $0x40, s2, s18, $0xb8;
	[tilespmem:$0xE420] =	vst v63  }
0x2a: {  	s13 =	smul.u32 $0x320, s13;
	p2 =	por p2, p1;
	_ =	swait.ge [sflag:s30], $0x3200  }
0x2b: {  	s31 =	simm.s32 @!p1 $0x0;
	s20 =	simm.s32 @!p2 $0x1;
	[sflag:s30] =	ssyncset.done $0x0  }
0x2c: {  	s20 =	sand.u32 @!p2 $0x1, s20;
	[sflag:s30] =	ssyncadd.s32 $0xFFFFCE00;
	s30 =	sadd.s32 $0xB, s0  }
0x2d: {  	[hbm4b:s11+s2] =	stream.linear.scatter [tilespmem:s15], [sflag:s30], $0x3200, $0x38;
	[tilespmem:$0xE420] =	vst v63  }
0x2e: {  	s31 =	sand.u32 @!p1 $0x1, s31;
	s15 =	sadd.s32 @!p2 $0x10, s4;
	s30 =	smul.u32 @!p2 $0x3200, s20  }
0x2f: {  	s22 =	sadd.s32 $0x3, s14;
	s31 =	sadd.s32 @!p1 $0x1, s31;
	s15 =	smul.u32 @!p2 $0x19, s15  }
0x30: {  	s13 =	sshrl.u32 s13, $0x2;
	s20 =	sadd.s32 @!p2 $0x1, s20;
	_ =	swait.ge @!p1 [sflag:s31], $0xC80  }
0x31: {  	s30 =	sshrl.u32 @!p2 s30, $0x2;
	[sflag:s31] =	ssyncset.done @!p1 $0x0;
	s15 =	sadd.s32 @!p2 s3, s15  }
0x32: {  	[sflag:s31] =	ssyncadd.s32 @!p1 $0xFFFFF380;
	s31 =	simm.s32 @!p2 $0x0;
	p1 =	por $0x0, $0x0  }
0x33: {  	[tilespmem:s30], [sflag:s20] =	stream.linear.gather @!p2 [hbm4b:s15+s31], $0xC80, $0x38;
	[tilespmem:$0xE420] =	vst v63  }
0x34: {  	s30 =	simm.s32 $0x0;
	s20 =	sshrl.u32 s16, $0x2;
	_ =	swait.ge [sflag:s22], $0x3200  }
0x35: {  	s15 =	sadd.s32 $0x7, s14;
	s30 =	sand.u32 $0xC80, s30;
	[sflag:s22] =	ssyncset.done $0x0  }
0x36: {  	s20 =	sadd.s32 $0x1900, s20;
	s13 =	sadd.s32 s13, s30;
	[sflag:s22] =	ssyncadd.s32 $0xFFFFCE00  }
0x37: {  	[tilespmem:s20], [sflag:s15] =	stream.indirect.gather.add.f32 [hbm:s5], $0x40, s13, s18, $0xb8;
	[tilespmem:$0xE420] =	vst v63  }
0x38: {  	s0 =	sxor.u32 @p1 $0x2, s0;
	s13 =	simm.s32 @!p1 $0x2  }
0x39: {  	s15 =	sadd.s32 @p1 $0xB, s0;
	s13 =	smov.u32 @p1 s0  }
0x3a: {  	_ =	swait.ge @p1 [sflag:s15], $0x3200;
	s0 =	smul.u32 $0xC800, s13  }
0x3b: {  	[sflag:s15] =	ssyncset.done @p1 $0x0  }
0x3c: {  	s30 =	smov.u32 s11;
	[sflag:s15] =	ssyncadd.s32 @p1 $0xFFFFCE00;
	s15 =	sshra.s32 s0, $0x2  }
.LBB2_2:
0x3d: {  	s0 =	sand.u32 $0x3, s29;
	s30 =	sadd.s32 $0x640, s30  }
0x3e: {  	s31 =	smov.u32 s29;
	s29 =	sadd.s32 $0x1, s29;
	s13 =	sadd.s32 $0x3, s13  }
0x3f: {  	s20 =	sadd.s32 $0x7, s0;
	s22 =	smul.u32 $0xC800, s0;
	s6 =	sand.u32 $0xF, s29  }
0x40: {  	s7 =	sshll.u32 s29, $0x1B;
	s14 =	sand.u32 $0x3, s29;
	p2 =	sne.s32 s6, $0x0  }
0x41: {  	s22 =	sshrl.u32 s22, $0x2;
	s8 =	sshrl.u32 @!p2 s29, $0x4;
	p1 =	sgt.u32 @!p2 s31, $0x6E  }
0x42: {  	s6 =	smul.u32 $0x320, s6;
	s9 =	sand.u32 @!p2 $0x1, s8;
	p3 =	por p1, p2  }
0x43: {  	s15 =	sadd.s32 $0x1900, s15;
	s12 =	smul.u32 $0xC800, s14;
	s8 =	sadd.s32 @!p3 $0x1, s8  }
0x44: {  	s7 =	sshra.s32 s7, $0x1F;
	s10 =	sshll.u32 @!p3 s8, $0x4;
	s8 =	sand.u32 @!p3 $0x1, s8  }
0x45: {  	s10 =	sadd.s32 @!p3 s4, s10;
	s16 =	smul.u32 @!p3 $0x3200, s8;
	s8 =	sadd.s32 @!p3 $0x1, s8  }
0x46: {  	s7 =	sand.u32 $0xC80, s7;
	p1 =	sne.s32 s29, $0x7E;
	s10 =	smul.u32 @!p3 $0x19, s10  }
0x47: {  	[tilespmem:s15], [sflag:s13] =	stream.linear.gather [spmem:s1], $0x3200, $0x38;
	[tilespmem:$0xE420] =	vst v63  }
0x48: {  	s9 =	sadd.s32 @!p2 $0x1, s9;
	s13 =	sadd.s32 $0xB, s0;
	_ =	swait.ge [sflag:s20], $0x3200  }
0x49: {  	s15 =	sshrl.u32 @!p3 s16, $0x2;
	s10 =	sadd.s32 @!p3 s3, s10;
	[sflag:s20] =	ssyncset.done $0x0  }
0x4a: {  	s6 =	sshrl.u32 s6, $0x2;
	s16 =	sadd.s32 $0x1900, s22;
	[sflag:s20] =	ssyncadd.s32 $0xFFFFCE00  }
0x4b: {  	[hbm4b:s30+s2] =	stream.linear.scatter [tilespmem:s16], [sflag:s13], $0x3200, $0x38;
	[tilespmem:$0xE420] =	vst v63  }
0x4c: {  	s13 =	simm.s32 @!p3 $0x0;
	s16 =	sadd.s32 $0x3, s14;
	_ =	swait.ge @!p2 [sflag:s9], $0xC80  }
0x4d: {  	s6 =	sadd.s32 s6, s7;
	s14 =	sadd.s32 $0x7, s14;
	[sflag:s9] =	ssyncset.done @!p2 $0x0  }
0x4e: {  	[sflag:s9] =	ssyncadd.s32 @!p2 $0xFFFFF380;
	s9 =	sshrl.u32 s12, $0x2;
	p2 =	sgt.u32 s31, $0x1  }
0x4f: {  	[tilespmem:s15], [sflag:s8] =	stream.linear.gather @!p3 [hbm4b:s10+s13], $0xC80, $0x38;
	[tilespmem:$0xE420] =	vst v63  }
0x50: {  	s8 =	sadd.s32 $0x1900, s9;
	s0 =	sxor.u32 @p2 $0x2, s0;
	_ =	swait.ge [sflag:s16], $0x3200  }
0x51: {  	s13 =	sadd.s32 @!p2 $0x2, s31;
	s7 =	sadd.s32 @p2 $0xB, s0;
	[sflag:s16] =	ssyncset.done $0x0  }
.Ltmp0:
0x52: {  	s13 =	smov.u32 @p2 s0;
	[sflag:s16] =	ssyncadd.s32 $0xFFFFCE00;
	(pc) =	sbr.rel @p1 .LBB2_2-.Ltmp0, $4  }
0x53: {  	[tilespmem:s8], [sflag:s14] =	stream.indirect.gather.add.f32 [hbm:s5], $0x40, s6, s18, $0xb8;
	[tilespmem:$0xE420] =	vst v63  }
0x54: {  	s0 =	smul.u32 $0xC800, s13;
	_ =	swait.ge @p2 [sflag:s7], $0x3200  }
0x55: {  	[sflag:s7] =	ssyncset.done @p2 $0x0  }
0x56: {  	s15 =	sshra.s32 s0, $0x2;
	[sflag:s7] =	ssyncadd.s32 @p2 $0xFFFFCE00  }
0x57: {  	s0 =	sadd.s32 $0x3, s13;
	s6 =	sadd.s32 $0x1900, s15  }
0x58: {  	[tilespmem:s6], [sflag:s0] =	stream.linear.gather [spmem:s1], $0x3200, $0x38;
	[tilespmem:$0xE420] =	vst v63  }
0x59: {  	s0 =	sadd.s32 $0x1, s29  }
0x5a: {  	_ =	swait.ge [sflag:s19], $0x3200;
	s16 =	sand.u32 $0xF, s0  }
0x5b: {  	s14 =	sadd.s32 $0x640, s30;
	[sflag:s19] =	ssyncset.done $0x0;
	p1 =	sne.s32 s16, $0x0  }
0x5c: {  	s15 =	simm.s32 $0x7D00;
	[sflag:s19] =	ssyncadd.s32 $0xFFFFCE00;
	s7 =	sshrl.u32 @!p1 s0, $0x4  }
0x5d: {  	[hbm4b:s14+s2] =	stream.linear.scatter [tilespmem:s15], [sflag:$0xD], $0x3200, $0x38;
	[tilespmem:$0xE420] =	vst v63  }
0x5e: {  	s7 =	sand.u32 @!p1 $0x1, s7  }
0x5f: {  	s8 =	sand.u32 $0x3, s0;
	s7 =	sadd.s32 @!p1 $0x1, s7  }
0x60: {  	s9 =	smul.u32 $0xC800, s8;
	_ =	swait.ge @!p1 [sflag:s7], $0xC80  }
0x61: {  	s20 =	sadd.s32 $0x3, s8;
	s6 =	smul.u32 $0x320, s16;
	[sflag:s7] =	ssyncset.done @!p1 $0x0  }
0x62: {  	s22 =	sadd.s32 $0x7, s8;
	s0 =	sshll.u32 s0, $0x1B;
	[sflag:s7] =	ssyncadd.s32 @!p1 $0xFFFFF380  }
0x63: {  	s9 =	sshrl.u32 s9, $0x2;
	s0 =	sshra.s32 s0, $0x1F;
	_ =	swait.ge [sflag:s20], $0x3200  }
0x64: {  	s6 =	sshrl.u32 s6, $0x2;
	s0 =	sand.u32 $0xC80, s0;
	[sflag:s20] =	ssyncset.done $0x0  }
0x65: {  	s9 =	sadd.s32 $0x1900, s9;
	s0 =	sadd.s32 s6, s0;
	[sflag:s20] =	ssyncadd.s32 $0xFFFFCE00  }
0x66: {  	[tilespmem:s9], [sflag:s22] =	stream.indirect.gather.add.f32 [hbm:s5], $0x40, s0, s18, $0xb8;
	[tilespmem:$0xE420] =	vst v63  }
0x67: {  	_ =	swait.ge [sflag:s21], $0x3200  }
0x68: {  	[sflag:s21] =	ssyncset.done $0x0  }
0x69: {  	s30 =	simm.s32 $0xAF00;
	s29 =	rddreg [dreg:$0x8];
	[sflag:s21] =	ssyncadd.s32 $0xFFFFCE00  }
0x6a: {  	[hbm4b:s29+s2] =	stream.linear.scatter [tilespmem:s30], [sflag:$0xE], $0x3200, $0x38;
	[tilespmem:$0xE420] =	vst v63  }
0x6b: {  	_ =	swait.ge [sflag:s23], $0x3200  }
0x6c: {  	[sflag:s23] =	ssyncset.done $0x0  }
0x6d: {  	[sflag:s23] =	ssyncadd.s32 $0xFFFFCE00  }
0x6e: {  	_ =	swait.ge [sflag:s24], $0x3200  }
0x6f: {  	[sflag:s24] =	ssyncset.done $0x0  }
0x70: {  	[sflag:s24] =	ssyncadd.s32 $0xFFFFCE00  }
0x71: {  	_ =	swait.ge [sflag:s25], $0x3200  }
0x72: {  	[sflag:s25] =	ssyncset.done $0x0  }
0x73: {  	[sflag:s25] =	ssyncadd.s32 $0xFFFFCE00  }
0x74: {  	_ =	swait.ge [sflag:s26], $0x3200  }
0x75: {  	s28 =	sadd.s32 $0x1, s28;
	s31 =	rddreg [dreg:$0x7]  }
0x76: {  	p1 =	sne.s32 s28, s31  }
.Ltmp1:
0x77: {  	_ = 	snop;
	(pc) =	sbr.rel @p1 .LBB2_1-.Ltmp1, $3  }
0x78: {  	_ =	sdelay $0x1  }
0x79: {  	[sflag:s26] =	ssyncset.done $0x0  }
0x7a: {  	[sflag:s26] =	ssyncadd.s32 $0xFFFFCE00  }
0x7b: {  	_ =	sfence.sel $0x180000  }
0x7c: {  	[bflag:$0x0] =	sbarrier.arrive $0xFFFF  }
0x7d: {  	_ =	strace $0x90000047  }
0x7e: {  	[bflag:$0x2] =	sbarrier.arrive $0xFFFF  }
0x7f: {  	s0 =	rddreg [dreg:$0x3]  }
0x80: {  	s0 =	sadd.s32 @!p0 $0x100000, s0  }
0x81: {  	[sflag:s0] =	ssyncadd.tile.s32 @!p0 $0x1;
	_ =	shalt  }
.Lfunc_end2:
_tile_overlayer_lowered:
.L_overlay_start_2:
0x82: {  	(tag) =	ssettag $0x2  }
0x83: {  	s0 =	rddreg [dreg:$0x0];
	s2 =	stileid.u32  }
0x84: {  	s1 =	rddreg [dreg:$0x1];
	p0 =	sne.s32 s2, $0x0  }
0x85: {  	s3 =	rddreg [dreg:$0x2];
	[bflag:$0x3] =	sbarrier.arrive $0xFFFF;
	s2 =	simm.s32 @!p0 $0x1C0F  }
0x86: {  	[timem:s3], [sflag:s2] =	dma.local @!p0 [hbm:s0], s1  }
0x87: {  	s0 =	simm.s32 @!p0 $0xF  }
0x88: {  	_ =	swait.ge @!p0 [sflag:s0], s1  }
0x89: {  	s1 =	ssub.s32 @!p0 $0x0, s1;
	[sflag:s0] =	ssyncset.done @!p0 $0x0  }
0x8a: {  	[sflag:s0] =	ssyncadd.s32 @!p0 s1  }
0x8b: {  	[bflag:$0x3] =	sbarrier.arrive $0xFFFF  }
0x8c: {  	_ =	shalt  }

// kernel: sparse-core-data-format-call.cloned.1.call-start
scs
called_computation_lowered:
.L_overlay_start_0:
0x0: {  	s2 =	sld [smem:$0x3FD9]  }
0x1: {  	s3 =	sld [smem:$0x3FFE];
	_ =	sdelay $0x1  }
0x2: {  	s1 =	srdreg.scid  }
0x3: {  	s0 =	sand.u32 $0x1, s1  }
0x4: {  	s18 =	sshll.u32 s0, $0xA;
	s2 =	sadd.s32 s3, s2  }
0x5: {  	s2 =	sadd.s32 s2, s18  }
0x6: {  	[smem:$0x3FC5] =	sst s2  }
0x7: {  	_ = 	snop  }
0x8: {  	s2 =	sld [smem:$0x3FD0];
	(tm) =	ssettm $0x1  }
0x9: {  	s19 =	sld [smem:$0x3FFB];
	_ =	sdelay $0x3  }
0xa: {  	_ =	strace s19  }
0xb: {  	s3 =	sld [smem:$0x3FFC];
	_ =	sdelay $0x3  }
0xc: {  	_ =	strace s3  }
0xd: {  	s3 =	sld [smem:$0x3FFD];
	_ =	sdelay $0x3  }
0xe: {  	_ =	strace s3  }
0xf: {  	_ =	strace $0x8FFFFFFF  }
0x10: {  	s20 =	sld [smem:$0x3FDB];
	_ =	sdelay $0x1  }
0x11: {  	s4 =	simm.s32 $_scs_section_size  }
0x12: {  	s5 =	simm.s32 $_size__tile_overlayer_lowered;
	s6 =	simm.s32 $_tile_overlayer_lowered  }
0x13: {  	s23 =	simm.s32 $0x1BFF;
	s22 =	sshll.u32 s6, $0x1;
	s3 =	sadd.s32 s4, s20  }
0x14: {  	s7 =	simm.s32 $0x0;
	s21 =	sshll.u32 s5, $0x1;
	s5 =	sadd.s32 s22, s3  }
0x15: {  	[timem:s7], [sflag:s23] =	dma.local [hbm:s5], s21  }
0x16: {  	_ =	swait.ge [sflag:s23], s21  }
0x17: {  	s4 =	ssub.s32 $0x0, s21;
	[sflag:s23] =	ssyncset.done $0x0  }
0x18: {  	[sflag:s23] =	ssyncadd.s32 s4;
	_ =	sdelay $0x1  }
0x19: {  	s24 =	simm.s32 $0x1B8B  }
0x1a: {  	_ =	swait.ge [sflag:s24], $0x1  }
0x1b: {  	[sflag:s24] =	ssyncset.done $0x0  }
0x1c: {  	s26 =	simm.s32 $0x1B8E;
	s25 =	sld [smem:$0x3FFE];
	[sflag:s24] =	ssyncadd.s32 $0xFFFFFFFF  }
0x1d: {  	s27 =	simm.s32 $execute0_lowered;
	[smem:$0x3FD2] =	sst s26  }
0x1e: {  	s5 =	sshll.u32 s27, $0x1;
	_ =	strace $0x80000049;
	[dreg:$0x1] =	wrdreg $0xFFFFFFFF  }
0x1f: {  	s28 =	simm.s32 $_size_execute0_lowered;
	s3 =	sadd.s32 s3, s5;
	[dreg:$0x0] =	wrdreg $0x0  }
0x20: {  	s5 =	sshll.u32 s28, $0x1;
	[dreg:$0x2] =	wrdreg s3  }
0x21: {  	[dreg:$0x3] =	wrdreg s5  }
0x22: {  	[dreg:$0x4] =	wrdreg $0xC0  }
0x23: {  	_ =	task [dreg:s7], $0x5FFFF  }
0x24: {  	[dreg:$0x1] =	wrdreg $0xFFFFFFFF  }
0x25: {  	[dreg:$0x0] =	wrdreg $0x60  }
0x26: {  	[dreg:$0x2] =	wrdreg s25  }
0x27: {  	[dreg:$0x3] =	wrdreg s2  }
0x28: {  	[dreg:$0x4] =	wrdreg $0x9  }
0x29: {  	_ =	task.clear_ibuf [dreg:s7], $0x5FFFF;
	_ =	strace $0x90000049  }
0x2a: {  	s29 =	simm.s32 $0x9;
	_ =	strace $0x8000004B  }
0x2b: {  	_ =	swait.ge [sflag:s29], $0x1  }
0x2c: {  	[sflag:s29] =	ssyncadd.s32 $0xFFFFFFFF  }
0x2d: {  	_ =	strace $0x9000004B  }
0x2e: {  	_ =	sfence  }
0x2f: {  	s30 =	sld [smem:$0x0];
	_ =	sdelay $0x2  }
0x30: {  	s31 =	sshll.u32 s1, $0xD;
	s1 =	sshrl.u32 s1, $0x2  }
0x31: {  	s3 =	sand.u32 $0x4000, s31;
	s1 =	sadd.s32 s1, s30  }
0x32: {  	s0 =	sor.u32 s3, s0;
	s1 =	sshll.u32 s1, $0x11  }
0x33: {  	s0 =	sor.u32 s1, s0  }
0x34: {  	s0 =	sadd.s32 $0x8F2B, s0  }
0x35: {  	[sflag:s0] =	ssyncadd.remote.s32 $0x1  }
0x36: {  	_ =	sfence.sel $0xFFFF  }
0x37: {  	[dreg:$0x0] =	wrdreg $0xFFFFFFFF;
	(pc) =	sbr.abs _section_cstart, $3  }
0x38: {  	[dreg:$0x1] =	wrdreg $0xFFFFFFFF  }
0x39: {  	_ =	task.clear_ibuf [dreg:s7], $0x2FFFF;
	_ =	strace $0x9FFFFFFF  }
0x3a: {  	(tm) =	ssettm $0x7FFFFFFF  }
0x3b: {  	_ =	shalt  }
tec
execute0_lowered:
.L_overlay_start_1:
0x0: {  	(tag) =	ssettag $0x1  }
0x1: {  	s0 =	srdreg.scid  }
0x2: {  	s1 =	sshll.u32 s0, $0x4  }
0x3: {  	s0 =	stileid.u32;
	s1 =	sand.u32 $0x10, s1  }
0x4: {  	s1 =	sor.u32 s0, s1  }
0x5: {  	s6 =	rddreg [dreg:$0x0];
	s4 =	simm.s32 $0x1;
	s2 =	sshll.u32 s1, $0x7  }
0x6: {  	s7 =	simm.s32 $0x2;
	s12 =	simm.s32 $0x0;
	s1 =	ssub.s32 $0x1000, s2  }
0x7: {  	s8 =	simm.s32 $0x8000;
	s13 =	simm.s32 $0x0;
	s3 =	sand.u32 $0xF80, s1  }
0x8: {  	s9 =	simm.s32 $0x0;
	s5 =	sshrl.u32 s1, $0xC;
	p0 =	sne.s32 s3, $0x0  }
.Ltmp0:
0x9: {  	s1 =	rddreg [dreg:$0x2];
	s4 =	simm.s32 @!p0 $0x0;
	(pc) =	sbr.rel .LBB1_1-.Ltmp0, $4  }
0xa: {  	s11 =	simm.s32 $0x0;
	s3 =	rddreg [dreg:$0x1];
	s5 =	sadd.s32 s4, s5  }
0xb: {  	_ =	strace $0x8000004A;
	s4 =	simm.s32 $0x1;
	s5 =	smul.u32 $0xC8, s5  }
0xc: {  	s6 =	sadd.s32 $0xC00, s6;
	s10 =	smov.u32 s2;
	[sflag:s4] =	ssyncpa.u1 $0x0  }
0xd: {  	p0 =	por $0x0, $0x0;
	[sflag:s7] =	ssyncpa.u1 $0x0;
	s7 =	sor.u32 $0x1, s5  }
.LBB1_4:
0xe: {  	s16 =	sshll.u32 s13, $0x3;
	s17 =	sand.u32 $0x78, s13  }
0xf: {  	s30 =	sand.u32 $0x7E00, s13;
	s12 =	sshll.u32 s12, $0xF;
	s16 =	sand.u32 $0xC00, s16  }
0x10: {  	[tilespmem:s15+$0x810 ss:$0x81] =	vst.msk $0xffff, v2;
	s31 =	sand.u32 $0x7, s13;
	s16 =	sor.u32 s17, s16;
	s17 =	sadd.s32 s3, s30  }
0x11: {  	[tilespmem:s15+$0x1020 ss:$0x81] =	vst.msk $0xffff, v0;
	s13 =	sshll.u32 s31, $0x12;
	s12 =	sadd.s32 s12, s17;
	s16 =	sshrl.u32 s16, $0x3  }
0x12: {  	[tilespmem:s15+$0x0 ss:$0x81] =	vst.msk $0xffff, v1;
	s13 =	sor.u32 $0x400, s13;
	s12 =	sadd.s32 s16, s12  }
0x13: {  	[hbm4b:s12+s13] =	stream.strided.scatter [tilespmem:s14], [sflag:$0x2], $0x2000, s8, s13, $0x20;
	[tilespmem:$0x8080] =	vst v63  }
.LBB1_5:
0x14: {  	s14 =	sadd.s32 $0x1, s9  }
0x15: {  	s12 =	sadd.s32 $0x1000, s10;
	s16 =	smov.u32 s10;
	p2 =	sgt.s32 s14, $0xC7  }
0x16: {  	s16 =	smov.u32 @p2 s12  }
0x17: {  	s14 =	simm.s32 @p2 $0x0;
	p2 =	sgt.s32 s16, $0xFFF  }
0x18: {  	s16 =	smov.u32 @p2 s2;
	p2 =	sne.s32 s11, s7  }
.Ltmp1:
0x19: {  	p1 =	slt.u32 s11, $0x2;
	(pc) =	sbr.rel @!p2 .LBB1_6-.Ltmp1, $4  }
0x1a: {  	s15 =	simm.s32 @!p1 $0x2  }
0x1b: {  	s13 =	smov.u32 s10;
	p0 =	por !p0, !p0;
	_ =	swait.ge @!p1 [sflag:s15], $0x2000  }
0x1c: {  	s12 =	smov.u32 s9;
	[sflag:s15] =	ssyncset.done @!p1 $0x0;
	s9 =	smov.u32 s14  }
0x1d: {  	s11 =	sadd.s32 $0x1, s11;
	[sflag:s15] =	ssyncadd.s32 @!p1 $0xFFFFE000;
	s10 =	smov.u32 s16  }
.LBB1_1:
0x1e: {  	p1 =	sge.u32 s11, s5  }
0x1f: {  	s14 =	sand.u32 @!p1 $0x1FFFFFF, s9  }
0x20: {  	s15 =	smulhi.u32 @!p1 $0x147AE15, s14;
	_ =	sdelay $0x1  }
0x21: {  	s15 =	smul.u32 @!p1 $0xC8, s15  }
0x22: {  	s16 =	sxor.u32 @!p1 $0xFFFFFFFF, s11;
	s17 =	smul.u32 @!p1 $0xC80, s10  }
0x23: {  	s31 =	sadd.s32 $0xFFFFFFFF, s11;
	s16 =	sshll.u32 @!p1 s16, $0xD;
	s14 =	ssub.s32 @!p1 s14, s15  }
0x24: {  	s15 =	sand.u32 @!p1 $0x2000, s16;
	s16 =	sadd.s32 @!p1 s6, s17;
	s14 =	sshll.u32 @!p1 s14, $0x4  }
0x25: {  	s17 =	simm.s32 @!p1 $0x6400;
	s14 =	sadd.s32 @!p1 s14, s16;
	s16 =	simm.s32 @!p1 $0x40  }
0x26: {  	[tilespmem:s15], [sflag:$0x1] =	stream.strided.gather @!p1 [hbm4b:s14+s16], $0x2000, s17, s16, $0x38;
	[tilespmem:$0x8080] =	vst v63  }
0x27: {  	p1 =	sge.u32 s31, s5  }
.Ltmp2:
0x28: {  	_ = 	snop;
	(pc) =	sbr.rel @p1 .LBB1_5-.Ltmp2, $1  }
0x29: {  	_ =	sdelay $0x3  }
0x2a: {  	s14 =	simm.s32 $0x1  }
0x2b: {  	_ =	swait.ge [sflag:s4], $0x2000;
	s14 =	simm.s32 @!p0 $0x0  }
0x2c: {  	[sflag:s4] =	ssyncset.done $0x0;
	s15 =	sshll.u32 s14, $0xD  }
0x2d: {  	[sflag:s4] =	ssyncadd.s32 $0xFFFFE000;
	s18 =	sor.u32 $0x20, s15  }
0x2e: {  	s14 =	smul.u32 $0x8100, s14;
	v3 =	vld [tilespmem:s18+$0x10]  }
0x2f: {  	s30 =	sand.u32 $0x1, s11;
	v2 =	vld [tilespmem:s18+$0xFFFFFFF0]  }
0x30: {  	s15 =	smul.u32 $0x8100, s30;
	s14 =	sshrl.u32 s14, $0x2;
	v0 =	vld [tilespmem:s18+$0x0]  }
0x31: {  	v1 =	vld [tilespmem:s18+$0xFFFFFFE0];
	s16 =	sor.u32 $0x4000, s14  }
0x32: {  	s31 =	sshrl.u32 s15, $0x2;
	s15 =	sadd.s32 $0x0, s16  }
0x33: {  	s17 =	simm.s32 $0x4;
	s18 =	sadd.s32 $0x40, s18;
	s14 =	sor.u32 $0x4000, s31;
	[tilespmem:s15+$0x1830 ss:$0x81] =	vst.msk $0xffff, v3  }
.LBB1_3:
0x34: {  	v3 =	vld [tilespmem:s18+$0x10];
	p1 =	sne.s32 s17, $0x1FC;
	[tilespmem:s15+$0x810 ss:$0x81] =	vst.msk $0xffff, v2;
	s19 =	smov.u32 s17;
	s17 =	sadd.s32 $0x4, s17  }
.Ltmp3:
0x35: {  	v2 =	vld [tilespmem:s18+$0xFFFFFFF0];
	[tilespmem:s15+$0x1020 ss:$0x81] =	vst.msk $0xffff, v0;
	(pc) =	sbr.rel @p1 .LBB1_3-.Ltmp3, $4  }
0x36: {  	v0 =	vld [tilespmem:s18+$0x0];
	[tilespmem:s15+$0x0 ss:$0x81] =	vst.msk $0xffff, v1  }
0x37: {  	s15 =	sshra.s32 s19, $0x2;
	v1 =	vld [tilespmem:s18+$0xFFFFFFE0]  }
0x38: {  	s15 =	sadd.s32 s15, s16  }
0x39: {  	s18 =	sadd.s32 $0x40, s18;
	[tilespmem:s15+$0x1830 ss:$0x81] =	vst.msk $0xffff, v3  }
.Ltmp4:
0x3a: {  	_ = 	snop;
	(pc) =	sbr.rel .LBB1_4-.Ltmp4, $1  }
0x3b: {  	_ =	sdelay $0x3  }
.LBB1_6:
0x3c: {  	_ =	sfence.sel $0x180000  }
0x3d: {  	s2 =	simm.s32 $0x1;
	[bflag:$0x0] =	sbarrier.arrive $0xFFFF  }
0x3e: {  	s31 =	simm.s32 $0x2;
	[sflag:s2] =	ssyncpa.u1 $0x1  }
0x3f: {  	[sflag:s31] =	ssyncpa.u1 $0x1  }
0x40: {  	p0 =	sne.s32 s0, $0x0;
	_ =	strace $0x9000004A  }
0x41: {  	s0 =	sadd.s32 @!p0 $0x100000, s1;
	[bflag:$0x2] =	sbarrier.arrive $0xFFFF  }
0x42: {  	[sflag:s0] =	ssyncadd.tile.s32 @!p0 $0x1;
	_ =	shalt  }
.Lfunc_end1:
_tile_overlayer_lowered:
.L_overlay_start_2:
0x43: {  	(tag) =	ssettag $0x2  }
0x44: {  	s0 =	rddreg [dreg:$0x0];
	s2 =	stileid.u32  }
0x45: {  	s1 =	rddreg [dreg:$0x1];
	p0 =	sne.s32 s2, $0x0  }
0x46: {  	s3 =	rddreg [dreg:$0x2];
	[bflag:$0x3] =	sbarrier.arrive $0xFFFF;
	s2 =	simm.s32 @!p0 $0x1C01  }
0x47: {  	[timem:s3], [sflag:s2] =	dma.local @!p0 [hbm:s0], s1  }
0x48: {  	s0 =	simm.s32 @!p0 $0x1  }
0x49: {  	_ =	swait.ge @!p0 [sflag:s0], s1  }
0x4a: {  	s1 =	ssub.s32 @!p0 $0x0, s1;
	[sflag:s0] =	ssyncset.done @!p0 $0x0  }
0x4b: {  	[sflag:s0] =	ssyncadd.s32 @!p0 s1  }
0x4c: {  	[bflag:$0x3] =	sbarrier.arrive $0xFFFF  }
0x4d: {  	_ =	shalt  }

</sc_bundles>
